<compile_context>
chip_gen: v7x
topology: tpu7x:2x2x1
jax: 0.10.2.dev20260603
libtpu: 0.0.44.dev20260713+nightly
codegen_flags: <defaults>
</compile_context>

<pallas_src>
import functools

import jax
import jax.numpy as jnp
from jax import lax
from jax.experimental import pallas as pl
from jax.experimental.pallas import tpu as pltpu
from jax.experimental.pallas import tpu_sc as plsc
from jax.experimental import layout as jex_layout

B = 16384
D = 64
NC = 2
NS = 16
NW = NC * NS
BPW = B // NW
H = 256
L = 16


def _row_gather_kernel(user, item, Gu_rm, Gi_rm):
    mesh = plsc.VectorSubcoreMesh(
        core_axis_name="c", subcore_axis_name="s", num_cores=NC, num_subcores=NS
    )

    @functools.partial(
        pl.kernel,
        out_type=[
            jax.ShapeDtypeStruct((B, D), jnp.float32),
            jax.ShapeDtypeStruct((B, D), jnp.float32),
        ],
        mesh=mesh,
        scratch_types=[
            pltpu.VMEM((BPW + L,), jnp.int32),
            pltpu.VMEM((BPW + L,), jnp.int32),
            pltpu.VMEM((H, D), jnp.float32),
            pltpu.VMEM((H, D), jnp.float32),
            pltpu.SemaphoreType.DMA,
            pltpu.SemaphoreType.DMA,
        ],
    )
    def k(user_h, item_h, gu_h, gi_h, gu_o, gi_o,
          uidx_v, iidx_v, obu_v, obi_v, sem_u, sem_i):
        wid = lax.axis_index("s") * NC + lax.axis_index("c")
        base = wid * BPW
        pltpu.sync_copy(user_h.at[pl.ds(base, BPW)], uidx_v.at[pl.ds(0, BPW)])
        pltpu.sync_copy(item_h.at[pl.ds(base, BPW)], iidx_v.at[pl.ds(0, BPW)])

        for h in range(BPW // H):
            def body(g, _):
                vu = uidx_v[pl.ds(h * H + g * L, L)]
                vi = iidx_v[pl.ds(h * H + g * L, L)]
                for j in range(L):
                    pltpu.async_copy(
                        gu_h.at[pl.ds(vu[j], 1)],
                        obu_v.at[pl.ds(g * L + j, 1)], sem_u)
                    pltpu.async_copy(
                        gi_h.at[pl.ds(vi[j], 1)],
                        obi_v.at[pl.ds(g * L + j, 1)], sem_i)
                return _

            lax.fori_loop(0, H // L, body, None)
            pltpu.make_async_copy(gu_h.at[pl.ds(0, H)], obu_v, sem_u).wait()
            pltpu.make_async_copy(gi_h.at[pl.ds(0, H)], obi_v, sem_i).wait()
            pltpu.sync_copy(obu_v, gu_o.at[pl.ds(base + h * H, H)])
            pltpu.sync_copy(obi_v, gi_o.at[pl.ds(base + h * H, H)])

    return k(user, item, Gu_rm, Gi_rm)


def _sc_gather_bias(item, Bi):
    mesh = plsc.VectorSubcoreMesh(
        core_axis_name="c", subcore_axis_name="s", num_cores=NC, num_subcores=NS
    )

    @functools.partial(
        pl.kernel,
        out_type=jax.ShapeDtypeStruct((B,), jnp.float32),
        mesh=mesh,
        scratch_types=[
            pltpu.VMEM((BPW,), jnp.int32),
            pltpu.VMEM((BPW,), jnp.float32),
            pltpu.SemaphoreType.DMA,
        ],
        compiler_params=pltpu.CompilerParams(use_tc_tiling_on_sc=False),
    )
    def k(item_h, bi_h, beta_o, iidx_v, beta_v, sem):
        wid = lax.axis_index("s") * NC + lax.axis_index("c")
        base = wid * BPW
        pltpu.sync_copy(item_h.at[pl.ds(base, BPW)], iidx_v)
        pltpu.async_copy(bi_h.at[iidx_v], beta_v, sem).wait()
        pltpu.sync_copy(beta_v, beta_o.at[pl.ds(base, BPW)])

    return k(item, Bi)


def _dot_body(beta_ref, gu_ref, gi_ref, out_ref):
    out_ref[...] = beta_ref[...] + jnp.sum(gu_ref[...] * gi_ref[...], axis=1)


def _tc_dot(beta, gu, gi):
    return pl.pallas_call(
        _dot_body,
        out_shape=jax.ShapeDtypeStruct((B,), jnp.float32),
    )(beta, gu, gi)


def kernel(user, item, Bi, Gu, Gi):
    fmt = jex_layout.Layout(major_to_minor=(0, 1))
    Gu_rm = jex_layout.with_layout_constraint(Gu, fmt)
    Gi_rm = jex_layout.with_layout_constraint(Gi, fmt)
    Gu_rm, Gi_rm = lax.optimization_barrier((Gu_rm, Gi_rm))
    gamma_u, gamma_i = _row_gather_kernel(user, item, Gu_rm, Gi_rm)
    beta_i = _sc_gather_bias(item, Bi)
    xui = _tc_dot(beta_i, gamma_u, gamma_i)
    return (xui, beta_i, gamma_u, gamma_i)

# --- scband reference (transcript-rebuilt; emitter-appended) ---
"""Pipeline reference for scband-nnbprmf-model-67439576482232 (READ-ONLY COPY).

The authoritative reference and input builder live on the scoring server;
editing this copy changes nothing except your own understanding.
"""

import jax, jax.numpy as jnp
import numpy as np

NUM_USERS = 1000000
NUM_ITEMS = 1000000
FACTORS = 64
BATCH = 16384


def _glorot(key, shape):
    fan_in, fan_out = shape[0], shape[1]
    limit = np.sqrt(6.0 / (fan_in + fan_out)).astype(np.float32)
    return jax.random.uniform(key, shape, jnp.float32, -limit, limit)


def setup_inputs(seed: int = 0) -> dict:
    key = jax.random.key(seed)
    k1, k2, k3, k4 = jax.random.split(key, 4)
    user = jax.random.randint(k1, (BATCH,), 0, NUM_USERS, dtype=jnp.int32)
    item = jax.random.randint(k2, (BATCH,), 0, NUM_ITEMS, dtype=jnp.int32)
    Bi = jnp.zeros((NUM_ITEMS,), dtype=jnp.float32)
    Gu = _glorot(k3, (NUM_USERS, FACTORS))
    Gi = _glorot(k4, (NUM_ITEMS, FACTORS))
    return {"user": user, "item": item, "Bi": Bi, "Gu": Gu, "Gi": Gi}


def reference(user, item, Bi, Gu, Gi):
    # Faithful translation of NNBPRMF_model.call
    beta_i = jnp.squeeze(jnp.take(Bi, item, axis=0))
    gamma_u = jnp.squeeze(jnp.take(Gu, user, axis=0))
    gamma_i = jnp.squeeze(jnp.take(Gi, item, axis=0))
    xui = beta_i + jnp.sum(gamma_u * gamma_i, axis=1)
    return (xui, beta_i, gamma_u, gamma_i)

if __name__ == "__main__":
    import jax
    _d = setup_inputs()
    print(jax.jit(kernel)(*tuple(_d.values())))

</pallas_src>

<mosaic_0001>
#map = affine_map<(d0, d1) -> (0)>
#map1 = affine_map<(d0, d1) -> (0, 0)>
module attributes {stable_mosaic.version = 14 : i64} {
  func.func @k(%arg0: i32, %arg1: i32, %arg2: memref<16384xi32, #tpu.memory_space<hbm>>, %arg3: memref<16384xi32, #tpu.memory_space<hbm>>, %arg4: memref<1000000x64xf32, #tpu.memory_space<hbm>>, %arg5: memref<1000000x64xf32, #tpu.memory_space<hbm>>, %arg6: memref<16384x64xf32, #tpu.memory_space<hbm>>, %arg7: memref<16384x64xf32, #tpu.memory_space<hbm>>, %arg8: memref<528xi32, #tpu.memory_space<vmem>>, %arg9: memref<528xi32, #tpu.memory_space<vmem>>, %arg10: memref<256x64xf32, #tpu.memory_space<vmem>>, %arg11: memref<256x64xf32, #tpu.memory_space<vmem>>, %arg12: memref<!tpu.dma_semaphore, #tpu.memory_space<semaphore_mem>>, %arg13: memref<!tpu.dma_semaphore, #tpu.memory_space<semaphore_mem>>) attributes {dimension_semantics = [#tpu.dimension_semantics<core_parallel>, #tpu.dimension_semantics<subcore_parallel>], iteration_bounds = array<i64: 2, 16>, scalar_prefetch = 0 : i64, scratch_operands = 6 : i64, tpu.core_type = #tpu.core_type<sc_vector_subcore>, window_params = [{transform_indices = #map}, {transform_indices = #map}, {transform_indices = #map1}, {transform_indices = #map1}, {transform_indices = #map1}, {transform_indices = #map1}]} {
    %mul3A = arith.constant 2 : i32
    %mul3A_0 = arith.muli %arg1, %mul3A : i32
    %add3A = arith.addi %mul3A_0, %arg0 : i32
    %mul3A_1 = arith.constant 512 : i32
    %mul3A_2 = arith.muli %add3A, %mul3A_1 : i32
    "tpu.region"() ({
      %run_scoped3A = tpu.sem_alloc : memref<!tpu.dma_semaphore, #tpu.memory_space<semaphore_mem>>
      %dma_start3A = arith.constant 0 : i32
      %dma_start3A_43 = tpu.memref_slice %arg8[%dma_start3A] : memref<528xi32, #tpu.memory_space<vmem>> -> memref<512xi32, #tpu.memory_space<vmem>>
      %dma_start3A_44 = tpu.memref_slice %arg2[%mul3A_2] : memref<16384xi32, #tpu.memory_space<hbm>> -> memref<512xi32, #tpu.memory_space<hbm>>
      %dma_start3A_45 = arith.constant 0 : i32
      %dma_start3A_46 = tpu.memref_slice %arg8[%dma_start3A_45] : memref<528xi32, #tpu.memory_space<vmem>> -> memref<512xi32, #tpu.memory_space<vmem>>
      %dma_start3A_47 = tpu.memref_slice %arg2[%mul3A_2] : memref<16384xi32, #tpu.memory_space<hbm>> -> memref<512xi32, #tpu.memory_space<hbm>>
      tpu.enqueue_dma source(%dma_start3A_47 : memref<512xi32, #tpu.memory_space<hbm>>) target(%dma_start3A_46 : memref<512xi32, #tpu.memory_space<vmem>>) target_semaphore(%run_scoped3A : memref<!tpu.dma_semaphore, #tpu.memory_space<semaphore_mem>>)
      %dma_wait3A_48 = arith.constant 0 : i32
      %dma_wait3A_49 = tpu.memref_slice %arg8[%dma_wait3A_48] : memref<528xi32, #tpu.memory_space<vmem>> -> memref<512xi32, #tpu.memory_space<vmem>>
      %dma_wait3A_50 = tpu.memref_slice %arg2[%mul3A_2] : memref<16384xi32, #tpu.memory_space<hbm>> -> memref<512xi32, #tpu.memory_space<hbm>>
      %dma_wait3A_51 = arith.constant 0 : i32
      %dma_wait3A_52 = tpu.memref_slice %arg8[%dma_wait3A_51] : memref<528xi32, #tpu.memory_space<vmem>> -> memref<512xi32, #tpu.memory_space<vmem>>
      %dma_wait3A_53 = tpu.memref_slice %arg2[%mul3A_2] : memref<16384xi32, #tpu.memory_space<hbm>> -> memref<512xi32, #tpu.memory_space<hbm>>
      tpu.wait_dma2 semaphore(%run_scoped3A : memref<!tpu.dma_semaphore, #tpu.memory_space<semaphore_mem>>) src(%dma_wait3A_53 : memref<512xi32, #tpu.memory_space<hbm>>) dst(%dma_wait3A_52 : memref<512xi32, #tpu.memory_space<vmem>>)
      tpu.yield
    }) : () -> ()
    "tpu.region"() ({
      %run_scoped3A = tpu.sem_alloc : memref<!tpu.dma_semaphore, #tpu.memory_space<semaphore_mem>>
      %dma_start3A = arith.constant 0 : i32
      %dma_start3A_43 = tpu.memref_slice %arg9[%dma_start3A] : memref<528xi32, #tpu.memory_space<vmem>> -> memref<512xi32, #tpu.memory_space<vmem>>
      %dma_start3A_44 = tpu.memref_slice %arg3[%mul3A_2] : memref<16384xi32, #tpu.memory_space<hbm>> -> memref<512xi32, #tpu.memory_space<hbm>>
      %dma_start3A_45 = arith.constant 0 : i32
      %dma_start3A_46 = tpu.memref_slice %arg9[%dma_start3A_45] : memref<528xi32, #tpu.memory_space<vmem>> -> memref<512xi32, #tpu.memory_space<vmem>>
      %dma_start3A_47 = tpu.memref_slice %arg3[%mul3A_2] : memref<16384xi32, #tpu.memory_space<hbm>> -> memref<512xi32, #tpu.memory_space<hbm>>
      tpu.enqueue_dma source(%dma_start3A_47 : memref<512xi32, #tpu.memory_space<hbm>>) target(%dma_start3A_46 : memref<512xi32, #tpu.memory_space<vmem>>) target_semaphore(%run_scoped3A : memref<!tpu.dma_semaphore, #tpu.memory_space<semaphore_mem>>)
      %dma_wait3A_48 = arith.constant 0 : i32
      %dma_wait3A_49 = tpu.memref_slice %arg9[%dma_wait3A_48] : memref<528xi32, #tpu.memory_space<vmem>> -> memref<512xi32, #tpu.memory_space<vmem>>
      %dma_wait3A_50 = tpu.memref_slice %arg3[%mul3A_2] : memref<16384xi32, #tpu.memory_space<hbm>> -> memref<512xi32, #tpu.memory_space<hbm>>
      %dma_wait3A_51 = arith.constant 0 : i32
      %dma_wait3A_52 = tpu.memref_slice %arg9[%dma_wait3A_51] : memref<528xi32, #tpu.memory_space<vmem>> -> memref<512xi32, #tpu.memory_space<vmem>>
      %dma_wait3A_53 = tpu.memref_slice %arg3[%mul3A_2] : memref<16384xi32, #tpu.memory_space<hbm>> -> memref<512xi32, #tpu.memory_space<hbm>>
      tpu.wait_dma2 semaphore(%run_scoped3A : memref<!tpu.dma_semaphore, #tpu.memory_space<semaphore_mem>>) src(%dma_wait3A_53 : memref<512xi32, #tpu.memory_space<hbm>>) dst(%dma_wait3A_52 : memref<512xi32, #tpu.memory_space<vmem>>)
      tpu.yield
    }) : () -> ()
    %scan3A = arith.constant 0 : i32
    %scan3A_3 = arith.constant 16 : i32
    %scan3A_4 = arith.addi %scan3A, %scan3A_3 : i32
    %scan3A_5 = arith.constant 1 : i32
    scf.for %scan3A_43 = %scan3A to %scan3A_4 step %scan3A_5  : i32 {
      %mul3A_44 = arith.constant 16 : i32
      %mul3A_45 = arith.muli %scan3A_43, %mul3A_44 : i32
      %add3A_46 = arith.constant 0 : i32
      %add3A_47 = arith.addi %add3A_46, %mul3A_45 : i32
      %get3A = arith.index_cast %add3A_47 : i32 to index
      %get3A_48 = tpu.vector_load %arg8[%get3A] {strides = array<i32>} : memref<528xi32, #tpu.memory_space<vmem>>, vector<16xi32>,
      %get3A_49 = vector.shape_cast %get3A_48 : vector<16xi32> to vector<16xi32>
      %mul3A_50 = arith.constant 16 : i32
      %mul3A_51 = arith.muli %scan3A_43, %mul3A_50 : i32
      %add3A_52 = arith.constant 0 : i32
      %add3A_53 = arith.addi %add3A_52, %mul3A_51 : i32
      %get3A_54 = arith.index_cast %add3A_53 : i32 to index
      %get3A_55 = tpu.vector_load %arg9[%get3A_54] {strides = array<i32>} : memref<528xi32, #tpu.memory_space<vmem>>, vector<16xi32>,
      %get3A_56 = vector.shape_cast %get3A_55 : vector<16xi32> to vector<16xi32>
      %slice3A = vector.extract_strided_slice %get3A_49 {offsets = [0], sizes = [1], strides = [1]} : vector<16xi32> to vector<1xi32>
      %squeeze3A = vector.extract %slice3A[0] : i32 from vector<1xi32>
      %mul3A_57 = arith.constant 16 : i32
      %mul3A_58 = arith.muli %scan3A_43, %mul3A_57 : i32
      %add3A_59 = arith.constant 0 : i32
      %add3A_60 = arith.addi %mul3A_58, %add3A_59 : i32
      %dma_start3A = arith.constant 0 : i32
      %dma_start3A_61 = tpu.memref_slice %arg10[%add3A_60, %dma_start3A] : memref<256x64xf32, #tpu.memory_space<vmem>> -> memref<1x64xf32, #tpu.memory_space<vmem>>
      %dma_start3A_62 = arith.constant 0 : i32
      %dma_start3A_63 = tpu.memref_slice %arg4[%squeeze3A, %dma_start3A_62] : memref<1000000x64xf32, #tpu.memory_space<hbm>> -> memref<1x64xf32, #tpu.memory_space<hbm>>
      %dma_start3A_64 = arith.constant 0 : i32
      %dma_start3A_65 = tpu.memref_slice %arg10[%add3A_60, %dma_start3A_64] : memref<256x64xf32, #tpu.memory_space<vmem>> -> memref<1x64xf32, #tpu.memory_space<vmem>>
      %dma_start3A_66 = arith.constant 0 : i32
      %dma_start3A_67 = tpu.memref_slice %arg4[%squeeze3A, %dma_start3A_66] : memref<1000000x64xf32, #tpu.memory_space<hbm>> -> memref<1x64xf32, #tpu.memory_space<hbm>>
      tpu.enqueue_dma source(%dma_start3A_67 : memref<1x64xf32, #tpu.memory_space<hbm>>) target(%dma_start3A_65 : memref<1x64xf32, #tpu.memory_space<vmem>>) target_semaphore(%arg12 : memref<!tpu.dma_semaphore, #tpu.memory_space<semaphore_mem>>)
      %slice3A_68 = vector.extract_strided_slice %get3A_56 {offsets = [0], sizes = [1], strides = [1]} : vector<16xi32> to vector<1xi32>
      %squeeze3A_69 = vector.extract %slice3A_68[0] : i32 from vector<1xi32>
      %mul3A_70 = arith.constant 16 : i32
      %mul3A_71 = arith.muli %scan3A_43, %mul3A_70 : i32
      %add3A_72 = arith.constant 0 : i32
      %add3A_73 = arith.addi %mul3A_71, %add3A_72 : i32
      %dma_start3A_74 = arith.constant 0 : i32
      %dma_start3A_75 = tpu.memref_slice %arg11[%add3A_73, %dma_start3A_74] : memref<256x64xf32, #tpu.memory_space<vmem>> -> memref<1x64xf32, #tpu.memory_space<vmem>>
      %dma_start3A_76 = arith.constant 0 : i32
      %dma_start3A_77 = tpu.memref_slice %arg5[%squeeze3A_69, %dma_start3A_76] : memref<1000000x64xf32, #tpu.memory_space<hbm>> -> memref<1x64xf32, #tpu.memory_space<hbm>>
      %dma_start3A_78 = arith.constant 0 : i32
      %dma_start3A_79 = tpu.memref_slice %arg11[%add3A_73, %dma_start3A_78] : memref<256x64xf32, #tpu.memory_space<vmem>> -> memref<1x64xf32, #tpu.memory_space<vmem>>
      %dma_start3A_80 = arith.constant 0 : i32
      %dma_start3A_81 = tpu.memref_slice %arg5[%squeeze3A_69, %dma_start3A_80] : memref<1000000x64xf32, #tpu.memory_space<hbm>> -> memref<1x64xf32, #tpu.memory_space<hbm>>
      tpu.enqueue_dma source(%dma_start3A_81 : memref<1x64xf32, #tpu.memory_space<hbm>>) target(%dma_start3A_79 : memref<1x64xf32, #tpu.memory_space<vmem>>) target_semaphore(%arg13 : memref<!tpu.dma_semaphore, #tpu.memory_space<semaphore_mem>>)
      %slice3A_82 = vector.extract_strided_slice %get3A_49 {offsets = [1], sizes = [1], strides = [1]} : vector<16xi32> to vector<1xi32>
      %squeeze3A_83 = vector.extract %slice3A_82[0] : i32 from vector<1xi32>
      %mul3A_84 = arith.constant 16 : i32
      %mul3A_85 = arith.muli %scan3A_43, %mul3A_84 : i32
      %add3A_86 = arith.constant 1 : i32
      %add3A_87 = arith.addi %mul3A_85, %add3A_86 : i32
      %dma_start3A_88 = arith.constant 0 : i32
      %dma_start3A_89 = tpu.memref_slice %arg10[%add3A_87, %dma_start3A_88] : memref<256x64xf32, #tpu.memory_space<vmem>> -> memref<1x64xf32, #tpu.memory_space<vmem>>
      %dma_start3A_90 = arith.constant 0 : i32
      %dma_start3A_91 = tpu.memref_slice %arg4[%squeeze3A_83, %dma_start3A_90] : memref<1000000x64xf32, #tpu.memory_space<hbm>> -> memref<1x64xf32, #tpu.memory_space<hbm>>
      %dma_start3A_92 = arith.constant 0 : i32
      %dma_start3A_93 = tpu.memref_slice %arg10[%add3A_87, %dma_start3A_92] : memref<256x64xf32, #tpu.memory_space<vmem>> -> memref<1x64xf32, #tpu.memory_space<vmem>>
      %dma_start3A_94 = arith.constant 0 : i32
      %dma_start3A_95 = tpu.memref_slice %arg4[%squeeze3A_83, %dma_start3A_94] : memref<1000000x64xf32, #tpu.memory_space<hbm>> -> memref<1x64xf32, #tpu.memory_space<hbm>>
      tpu.enqueue_dma source(%dma_start3A_95 : memref<1x64xf32, #tpu.memory_space<hbm>>) target(%dma_start3A_93 : memref<1x64xf32, #tpu.memory_space<vmem>>) target_semaphore(%arg12 : memref<!tpu.dma_semaphore, #tpu.memory_space<semaphore_mem>>)
      %slice3A_96 = vector.extract_strided_slice %get3A_56 {offsets = [1], sizes = [1], strides = [1]} : vector<16xi32> to vector<1xi32>
      %squeeze3A_97 = vector.extract %slice3A_96[0] : i32 from vector<1xi32>
      %mul3A_98 = arith.constant 16 : i32
      %mul3A_99 = arith.muli %scan3A_43, %mul3A_98 : i32
      %add3A_100 = arith.constant 1 : i32
      %add3A_101 = arith.addi %mul3A_99, %add3A_100 : i32
      %dma_start3A_102 = arith.constant 0 : i32
      %dma_start3A_103 = tpu.memref_slice %arg11[%add3A_101, %dma_start3A_102] : memref<256x64xf32, #tpu.memory_space<vmem>> -> memref<1x64xf32, #tpu.memory_space<vmem>>
      %dma_start3A_104 = arith.constant 0 : i32
      %dma_start3A_105 = tpu.memref_slice %arg5[%squeeze3A_97, %dma_start3A_104] : memref<1000000x64xf32, #tpu.memory_space<hbm>> -> memref<1x64xf32, #tpu.memory_space<hbm>>
      %dma_start3A_106 = arith.constant 0 : i32
      %dma_start3A_107 = tpu.memref_slice %arg11[%add3A_101, %dma_start3A_106] : memref<256x64xf32, #tpu.memory_space<vmem>> -> memref<1x64xf32, #tpu.memory_space<vmem>>
      %dma_start3A_108 = arith.constant 0 : i32
      %dma_start3A_109 = tpu.memref_slice %arg5[%squeeze3A_97, %dma_start3A_108] : memref<1000000x64xf32, #tpu.memory_space<hbm>> -> memref<1x64xf32, #tpu.memory_space<hbm>>
      tpu.enqueue_dma source(%dma_start3A_109 : memref<1x64xf32, #tpu.memory_space<hbm>>) target(%dma_start3A_107 : memref<1x64xf32, #tpu.memory_space<vmem>>) target_semaphore(%arg13 : memref<!tpu.dma_semaphore, #tpu.memory_space<semaphore_mem>>)
      %slice3A_110 = vector.extract_strided_slice %get3A_49 {offsets = [2], sizes = [1], strides = [1]} : vector<16xi32> to vector<1xi32>
      %squeeze3A_111 = vector.extract %slice3A_110[0] : i32 from vector<1xi32>
      %mul3A_112 = arith.constant 16 : i32
      %mul3A_113 = arith.muli %scan3A_43, %mul3A_112 : i32
      %add3A_114 = arith.constant 2 : i32
      %add3A_115 = arith.addi %mul3A_113, %add3A_114 : i32
      %dma_start3A_116 = arith.constant 0 : i32
      %dma_start3A_117 = tpu.memref_slice %arg10[%add3A_115, %dma_start3A_116] : memref<256x64xf32, #tpu.memory_space<vmem>> -> memref<1x64xf32, #tpu.memory_space<vmem>>
      %dma_start3A_118 = arith.constant 0 : i32
      %dma_start3A_119 = tpu.memref_slice %arg4[%squeeze3A_111, %dma_start3A_118] : memref<1000000x64xf32, #tpu.memory_space<hbm>> -> memref<1x64xf32, #tpu.memory_space<hbm>>
      %dma_start3A_120 = arith.constant 0 : i32
      %dma_start3A_121 = tpu.memref_slice %arg10[%add3A_115, %dma_start3A_120] : memref<256x64xf32, #tpu.memory_space<vmem>> -> memref<1x64xf32, #tpu.memory_space<vmem>>
      %dma_start3A_122 = arith.constant 0 : i32
      %dma_start3A_123 = tpu.memref_slice %arg4[%squeeze3A_111, %dma_start3A_122] : memref<1000000x64xf32, #tpu.memory_space<hbm>> -> memref<1x64xf32, #tpu.memory_space<hbm>>
      tpu.enqueue_dma source(%dma_start3A_123 : memref<1x64xf32, #tpu.memory_space<hbm>>) target(%dma_start3A_121 : memref<1x64xf32, #tpu.memory_space<vmem>>) target_semaphore(%arg12 : memref<!tpu.dma_semaphore, #tpu.memory_space<semaphore_mem>>)
      %slice3A_124 = vector.extract_strided_slice %get3A_56 {offsets = [2], sizes = [1], strides = [1]} : vector<16xi32> to vector<1xi32>
      %squeeze3A_125 = vector.extract %slice3A_124[0] : i32 from vector<1xi32>
      %mul3A_126 = arith.constant 16 : i32
      %mul3A_127 = arith.muli %scan3A_43, %mul3A_126 : i32
      %add3A_128 = arith.constant 2 : i32
      %add3A_129 = arith.addi %mul3A_127, %add3A_128 : i32
      %dma_start3A_130 = arith.constant 0 : i32
      %dma_start3A_131 = tpu.memref_slice %arg11[%add3A_129, %dma_start3A_130] : memref<256x64xf32, #tpu.memory_space<vmem>> -> memref<1x64xf32, #tpu.memory_space<vmem>>
      %dma_start3A_132 = arith.constant 0 : i32
      %dma_start3A_133 = tpu.memref_slice %arg5[%squeeze3A_125, %dma_start3A_132] : memref<1000000x64xf32, #tpu.memory_space<hbm>> -> memref<1x64xf32, #tpu.memory_space<hbm>>
      %dma_start3A_134 = arith.constant 0 : i32
      %dma_start3A_135 = tpu.memref_slice %arg11[%add3A_129, %dma_start3A_134] : memref<256x64xf32, #tpu.memory_space<vmem>> -> memref<1x64xf32, #tpu.memory_space<vmem>>
      %dma_start3A_136 = arith.constant 0 : i32
      %dma_start3A_137 = tpu.memref_slice %arg5[%squeeze3A_125, %dma_start3A_136] : memref<1000000x64xf32, #tpu.memory_space<hbm>> -> memref<1x64xf32, #tpu.memory_space<hbm>>
      tpu.enqueue_dma source(%dma_start3A_137 : memref<1x64xf32, #tpu.memory_space<hbm>>) target(%dma_start3A_135 : memref<1x64xf32, #tpu.memory_space<vmem>>) target_semaphore(%arg13 : memref<!tpu.dma_semaphore, #tpu.memory_space<semaphore_mem>>)
      %slice3A_138 = vector.extract_strided_slice %get3A_49 {offsets = [3], sizes = [1], strides = [1]} : vector<16xi32> to vector<1xi32>
      %squeeze3A_139 = vector.extract %slice3A_138[0] : i32 from vector<1xi32>
      %mul3A_140 = arith.constant 16 : i32
      %mul3A_141 = arith.muli %scan3A_43, %mul3A_140 : i32
      %add3A_142 = arith.constant 3 : i32
      %add3A_143 = arith.addi %mul3A_141, %add3A_142 : i32
      %dma_start3A_144 = arith.constant 0 : i32
      %dma_start3A_145 = tpu.memref_slice %arg10[%add3A_143, %dma_start3A_144] : memref<256x64xf32, #tpu.memory_space<vmem>> -> memref<1x64xf32, #tpu.memory_space<vmem>>
      %dma_start3A_146 = arith.constant 0 : i32
      %dma_start3A_147 = tpu.memref_slice %arg4[%squeeze3A_139, %dma_start3A_146] : memref<1000000x64xf32, #tpu.memory_space<hbm>> -> memref<1x64xf32, #tpu.memory_space<hbm>>
      %dma_start3A_148 = arith.constant 0 : i32
      %dma_start3A_149 = tpu.memref_slice %arg10[%add3A_143, %dma_start3A_148] : memref<256x64xf32, #tpu.memory_space<vmem>> -> memref<1x64xf32, #tpu.memory_space<vmem>>
      %dma_start3A_150 = arith.constant 0 : i32
      %dma_start3A_151 = tpu.memref_slice %arg4[%squeeze3A_139, %dma_start3A_150] : memref<1000000x64xf32, #tpu.memory_space<hbm>> -> memref<1x64xf32, #tpu.memory_space<hbm>>
      tpu.enqueue_dma source(%dma_start3A_151 : memref<1x64xf32, #tpu.memory_space<hbm>>) target(%dma_start3A_149 : memref<1x64xf32, #tpu.memory_space<vmem>>) target_semaphore(%arg12 : memref<!tpu.dma_semaphore, #tpu.memory_space<semaphore_mem>>)
      %slice3A_152 = vector.extract_strided_slice %get3A_56 {offsets = [3], sizes = [1], strides = [1]} : vector<16xi32> to vector<1xi32>
      %squeeze3A_153 = vector.extract %slice3A_152[0] : i32 from vector<1xi32>
      %mul3A_154 = arith.constant 16 : i32
      %mul3A_155 = arith.muli %scan3A_43, %mul3A_154 : i32
      %add3A_156 = arith.constant 3 : i32
      %add3A_157 = arith.addi %mul3A_155, %add3A_156 : i32
      %dma_start3A_158 = arith.constant 0 : i32
      %dma_start3A_159 = tpu.memref_slice %arg11[%add3A_157, %dma_start3A_158] : memref<256x64xf32, #tpu.memory_space<vmem>> -> memref<1x64xf32, #tpu.memory_space<vmem>>
      %dma_start3A_160 = arith.constant 0 : i32
      %dma_start3A_161 = tpu.memref_slice %arg5[%squeeze3A_153, %dma_start3A_160] : memref<1000000x64xf32, #tpu.memory_space<hbm>> -> memref<1x64xf32, #tpu.memory_space<hbm>>
      %dma_start3A_162 = arith.constant 0 : i32
      %dma_start3A_163 = tpu.memref_slice %arg11[%add3A_157, %dma_start3A_162] : memref<256x64xf32, #tpu.memory_space<vmem>> -> memref<1x64xf32, #tpu.memory_space<vmem>>
      %dma_start3A_164 = arith.constant 0 : i32
      %dma_start3A_165 = tpu.memref_slice %arg5[%squeeze3A_153, %dma_start3A_164] : memref<1000000x64xf32, #tpu.memory_space<hbm>> -> memref<1x64xf32, #tpu.memory_space<hbm>>
      tpu.enqueue_dma source(%dma_start3A_165 : memref<1x64xf32, #tpu.memory_space<hbm>>) target(%dma_start3A_163 : memref<1x64xf32, #tpu.memory_space<vmem>>) target_semaphore(%arg13 : memref<!tpu.dma_semaphore, #tpu.memory_space<semaphore_mem>>)
      %slice3A_166 = vector.extract_strided_slice %get3A_49 {offsets = [4], sizes = [1], strides = [1]} : vector<16xi32> to vector<1xi32>
      %squeeze3A_167 = vector.extract %slice3A_166[0] : i32 from vector<1xi32>
      %mul3A_168 = arith.constant 16 : i32
      %mul3A_169 = arith.muli %scan3A_43, %mul3A_168 : i32
      %add3A_170 = arith.constant 4 : i32
      %add3A_171 = arith.addi %mul3A_169, %add3A_170 : i32
      %dma_start3A_172 = arith.constant 0 : i32
      %dma_start3A_173 = tpu.memref_slice %arg10[%add3A_171, %dma_start3A_172] : memref<256x64xf32, #tpu.memory_space<vmem>> -> memref<1x64xf32, #tpu.memory_space<vmem>>
      %dma_start3A_174 = arith.constant 0 : i32
      %dma_start3A_175 = tpu.memref_slice %arg4[%squeeze3A_167, %dma_start3A_174] : memref<1000000x64xf32, #tpu.memory_space<hbm>> -> memref<1x64xf32, #tpu.memory_space<hbm>>
      %dma_start3A_176 = arith.constant 0 : i32
      %dma_start3A_177 = tpu.memref_slice %arg10[%add3A_171, %dma_start3A_176] : memref<256x64xf32, #tpu.memory_space<vmem>> -> memref<1x64xf32, #tpu.memory_space<vmem>>
      %dma_start3A_178 = arith.constant 0 : i32
      %dma_start3A_179 = tpu.memref_slice %arg4[%squeeze3A_167, %dma_start3A_178] : memref<1000000x64xf32, #tpu.memory_space<hbm>> -> memref<1x64xf32, #tpu.memory_space<hbm>>
      tpu.enqueue_dma source(%dma_start3A_179 : memref<1x64xf32, #tpu.memory_space<hbm>>) target(%dma_start3A_177 : memref<1x64xf32, #tpu.memory_space<vmem>>) target_semaphore(%arg12 : memref<!tpu.dma_semaphore, #tpu.memory_space<semaphore_mem>>)
      %slice3A_180 = vector.extract_strided_slice %get3A_56 {offsets = [4], sizes = [1], strides = [1]} : vector<16xi32> to vector<1xi32>
      %squeeze3A_181 = vector.extract %slice3A_180[0] : i32 from vector<1xi32>
      %mul3A_182 = arith.constant 16 : i32
      %mul3A_183 = arith.muli %scan3A_43, %mul3A_182 : i32
      %add3A_184 = arith.constant 4 : i32
      %add3A_185 = arith.addi %mul3A_183, %add3A_184 : i32
      %dma_start3A_186 = arith.constant 0 : i32
      %dma_start3A_187 = tpu.memref_slice %arg11[%add3A_185, %dma_start3A_186] : memref<256x64xf32, #tpu.memory_space<vmem>> -> memref<1x64xf32, #tpu.memory_space<vmem>>
      %dma_start3A_188 = arith.constant 0 : i32
      %dma_start3A_189 = tpu.memref_slice %arg5[%squeeze3A_181, %dma_start3A_188] : memref<1000000x64xf32, #tpu.memory_space<hbm>> -> memref<1x64xf32, #tpu.memory_space<hbm>>
      %dma_start3A_190 = arith.constant 0 : i32
      %dma_start3A_191 = tpu.memref_slice %arg11[%add3A_185, %dma_start3A_190] : memref<256x64xf32, #tpu.memory_space<vmem>> -> memref<1x64xf32, #tpu.memory_space<vmem>>
      %dma_start3A_192 = arith.constant 0 : i32
      %dma_start3A_193 = tpu.memref_slice %arg5[%squeeze3A_181, %dma_start3A_192] : memref<1000000x64xf32, #tpu.memory_space<hbm>> -> memref<1x64xf32, #tpu.memory_space<hbm>>
      tpu.enqueue_dma source(%dma_start3A_193 : memref<1x64xf32, #tpu.memory_space<hbm>>) target(%dma_start3A_191 : memref<1x64xf32, #tpu.memory_space<vmem>>) target_semaphore(%arg13 : memref<!tpu.dma_semaphore, #tpu.memory_space<semaphore_mem>>)
      %slice3A_194 = vector.extract_strided_slice %get3A_49 {offsets = [5], sizes = [1], strides = [1]} : vector<16xi32> to vector<1xi32>
      %squeeze3A_195 = vector.extract %slice3A_194[0] : i32 from vector<1xi32>
      %mul3A_196 = arith.constant 16 : i32
      %mul3A_197 = arith.muli %scan3A_43, %mul3A_196 : i32
      %add3A_198 = arith.constant 5 : i32
      %add3A_199 = arith.addi %mul3A_197, %add3A_198 : i32
      %dma_start3A_200 = arith.constant 0 : i32
      %dma_start3A_201 = tpu.memref_slice %arg10[%add3A_199, %dma_start3A_200] : memref<256x64xf32, #tpu.memory_space<vmem>> -> memref<1x64xf32, #tpu.memory_space<vmem>>
      %dma_start3A_202 = arith.constant 0 : i32
      %dma_start3A_203 = tpu.memref_slice %arg4[%squeeze3A_195, %dma_start3A_202] : memref<1000000x64xf32, #tpu.memory_space<hbm>> -> memref<1x64xf32, #tpu.memory_space<hbm>>
      %dma_start3A_204 = arith.constant 0 : i32
      %dma_start3A_205 = tpu.memref_slice %arg10[%add3A_199, %dma_start3A_204] : memref<256x64xf32, #tpu.memory_space<vmem>> -> memref<1x64xf32, #tpu.memory_space<vmem>>
      %dma_start3A_206 = arith.constant 0 : i32
      %dma_start3A_207 = tpu.memref_slice %arg4[%squeeze3A_195, %dma_start3A_206] : memref<1000000x64xf32, #tpu.memory_space<hbm>> -> memref<1x64xf32, #tpu.memory_space<hbm>>
      tpu.enqueue_dma source(%dma_start3A_207 : memref<1x64xf32, #tpu.memory_space<hbm>>) target(%dma_start3A_205 : memref<1x64xf32, #tpu.memory_space<vmem>>) target_semaphore(%arg12 : memref<!tpu.dma_semaphore, #tpu.memory_space<semaphore_mem>>)
      %slice3A_208 = vector.extract_strided_slice %get3A_56 {offsets = [5], sizes = [1], strides = [1]} : vector<16xi32> to vector<1xi32>
      %squeeze3A_209 = vector.extract %slice3A_208[0] : i32 from vector<1xi32>
      %mul3A_210 = arith.constant 16 : i32
      %mul3A_211 = arith.muli %scan3A_43, %mul3A_210 : i32
      %add3A_212 = arith.constant 5 : i32
      %add3A_213 = arith.addi %mul3A_211, %add3A_212 : i32
      %dma_start3A_214 = arith.constant 0 : i32
      %dma_start3A_215 = tpu.memref_slice %arg11[%add3A_213, %dma_start3A_214] : memref<256x64xf32, #tpu.memory_space<vmem>> -> memref<1x64xf32, #tpu.memory_space<vmem>>
      %dma_start3A_216 = arith.constant 0 : i32
      %dma_start3A_217 = tpu.memref_slice %arg5[%squeeze3A_209, %dma_start3A_216] : memref<1000000x64xf32, #tpu.memory_space<hbm>> -> memref<1x64xf32, #tpu.memory_space<hbm>>
      %dma_start3A_218 = arith.constant 0 : i32
      %dma_start3A_219 = tpu.memref_slice %arg11[%add3A_213, %dma_start3A_218] : memref<256x64xf32, #tpu.memory_space<vmem>> -> memref<1x64xf32, #tpu.memory_space<vmem>>
      %dma_start3A_220 = arith.constant 0 : i32
      %dma_start3A_221 = tpu.memref_slice %arg5[%squeeze3A_209, %dma_start3A_220] : memref<1000000x64xf32, #tpu.memory_space<hbm>> -> memref<1x64xf32, #tpu.memory_space<hbm>>
      tpu.enqueue_dma source(%dma_start3A_221 : memref<1x64xf32, #tpu.memory_space<hbm>>) target(%dma_start3A_219 : memref<1x64xf32, #tpu.memory_space<vmem>>) target_semaphore(%arg13 : memref<!tpu.dma_semaphore, #tpu.memory_space<semaphore_mem>>)
      %slice3A_222 = vector.extract_strided_slice %get3A_49 {offsets = [6], sizes = [1], strides = [1]} : vector<16xi32> to vector<1xi32>
      %squeeze3A_223 = vector.extract %slice3A_222[0] : i32 from vector<1xi32>
      %mul3A_224 = arith.constant 16 : i32
      %mul3A_225 = arith.muli %scan3A_43, %mul3A_224 : i32
      %add3A_226 = arith.constant 6 : i32
      %add3A_227 = arith.addi %mul3A_225, %add3A_226 : i32
      %dma_start3A_228 = arith.constant 0 : i32
      %dma_start3A_229 = tpu.memref_slice %arg10[%add3A_227, %dma_start3A_228] : memref<256x64xf32, #tpu.memory_space<vmem>> -> memref<1x64xf32, #tpu.memory_space<vmem>>
      %dma_start3A_230 = arith.constant 0 : i32
      %dma_start3A_231 = tpu.memref_slice %arg4[%squeeze3A_223, %dma_start3A_230] : memref<1000000x64xf32, #tpu.memory_space<hbm>> -> memref<1x64xf32, #tpu.memory_space<hbm>>
      %dma_start3A_232 = arith.constant 0 : i32
      %dma_start3A_233 = tpu.memref_slice %arg10[%add3A_227, %dma_start3A_232] : memref<256x64xf32, #tpu.memory_space<vmem>> -> memref<1x64xf32, #tpu.memory_space<vmem>>
      %dma_start3A_234 = arith.constant 0 : i32
      %dma_start3A_235 = tpu.memref_slice %arg4[%squeeze3A_223, %dma_start3A_234] : memref<1000000x64xf32, #tpu.memory_space<hbm>> -> memref<1x64xf32, #tpu.memory_space<hbm>>
      tpu.enqueue_dma source(%dma_start3A_235 : memref<1x64xf32, #tpu.memory_space<hbm>>) target(%dma_start3A_233 : memref<1x64xf32, #tpu.memory_space<vmem>>) target_semaphore(%arg12 : memref<!tpu.dma_semaphore, #tpu.memory_space<semaphore_mem>>)
      %slice3A_236 = vector.extract_strided_slice %get3A_56 {offsets = [6], sizes = [1], strides = [1]} : vector<16xi32> to vector<1xi32>
      %squeeze3A_237 = vector.extract %slice3A_236[0] : i32 from vector<1xi32>
      %mul3A_238 = arith.constant 16 : i32
      %mul3A_239 = arith.muli %scan3A_43, %mul3A_238 : i32
      %add3A_240 = arith.constant 6 : i32
      %add3A_241 = arith.addi %mul3A_239, %add3A_240 : i32
      %dma_start3A_242 = arith.constant 0 : i32
      %dma_start3A_243 = tpu.memref_slice %arg11[%add3A_241, %dma_start3A_242] : memref<256x64xf32, #tpu.memory_space<vmem>> -> memref<1x64xf32, #tpu.memory_space<vmem>>
      %dma_start3A_244 = arith.constant 0 : i32
      %dma_start3A_245 = tpu.memref_slice %arg5[%squeeze3A_237, %dma_start3A_244] : memref<1000000x64xf32, #tpu.memory_space<hbm>> -> memref<1x64xf32, #tpu.memory_space<hbm>>
      %dma_start3A_246 = arith.constant 0 : i32
      %dma_start3A_247 = tpu.memref_slice %arg11[%add3A_241, %dma_start3A_246] : memref<256x64xf32, #tpu.memory_space<vmem>> -> memref<1x64xf32, #tpu.memory_space<vmem>>
      %dma_start3A_248 = arith.constant 0 : i32
      %dma_start3A_249 = tpu.memref_slice %arg5[%squeeze3A_237, %dma_start3A_248] : memref<1000000x64xf32, #tpu.memory_space<hbm>> -> memref<1x64xf32, #tpu.memory_space<hbm>>
      tpu.enqueue_dma source(%dma_start3A_249 : memref<1x64xf32, #tpu.memory_space<hbm>>) target(%dma_start3A_247 : memref<1x64xf32, #tpu.memory_space<vmem>>) target_semaphore(%arg13 : memref<!tpu.dma_semaphore, #tpu.memory_space<semaphore_mem>>)
      %slice3A_250 = vector.extract_strided_slice %get3A_49 {offsets = [7], sizes = [1], strides = [1]} : vector<16xi32> to vector<1xi32>
      %squeeze3A_251 = vector.extract %slice3A_250[0] : i32 from vector<1xi32>
      %mul3A_252 = arith.constant 16 : i32
      %mul3A_253 = arith.muli %scan3A_43, %mul3A_252 : i32
      %add3A_254 = arith.constant 7 : i32
      %add3A_255 = arith.addi %mul3A_253, %add3A_254 : i32
      %dma_start3A_256 = arith.constant 0 : i32
      %dma_start3A_257 = tpu.memref_slice %arg10[%add3A_255, %dma_start3A_256] : memref<256x64xf32, #tpu.memory_space<vmem>> -> memref<1x64xf32, #tpu.memory_space<vmem>>
      %dma_start3A_258 = arith.constant 0 : i32
      %dma_start3A_259 = tpu.memref_slice %arg4[%squeeze3A_251, %dma_start3A_258] : memref<1000000x64xf32, #tpu.memory_space<hbm>> -> memref<1x64xf32, #tpu.memory_space<hbm>>
      %dma_start3A_260 = arith.constant 0 : i32
      %dma_start3A_261 = tpu.memref_slice %arg10[%add3A_255, %dma_start3A_260] : memref<256x64xf32, #tpu.memory_space<vmem>> -> memref<1x64xf32, #tpu.memory_space<vmem>>
      %dma_start3A_262 = arith.constant 0 : i32
      %dma_start3A_263 = tpu.memref_slice %arg4[%squeeze3A_251, %dma_start3A_262] : memref<1000000x64xf32, #tpu.memory_space<hbm>> -> memref<1x64xf32, #tpu.memory_space<hbm>>
      tpu.enqueue_dma source(%dma_start3A_263 : memref<1x64xf32, #tpu.memory_space<hbm>>) target(%dma_start3A_261 : memref<1x64xf32, #tpu.memory_space<vmem>>) target_semaphore(%arg12 : memref<!tpu.dma_semaphore, #tpu.memory_space<semaphore_mem>>)
      %slice3A_264 = vector.extract_strided_slice %get3A_56 {offsets = [7], sizes = [1], strides = [1]} : vector<16xi32> to vector<1xi32>
      %squeeze3A_265 = vector.extract %slice3A_264[0] : i32 from vector<1xi32>
      %mul3A_266 = arith.constant 16 : i32
      %mul3A_267 = arith.muli %scan3A_43, %mul3A_266 : i32
      %add3A_268 = arith.constant 7 : i32
      %add3A_269 = arith.addi %mul3A_267, %add3A_268 : i32
      %dma_start3A_270 = arith.constant 0 : i32
      %dma_start3A_271 = tpu.memref_slice %arg11[%add3A_269, %dma_start3A_270] : memref<256x64xf32, #tpu.memory_space<vmem>> -> memref<1x64xf32, #tpu.memory_space<vmem>>
      %dma_start3A_272 = arith.constant 0 : i32
      %dma_start3A_273 = tpu.memref_slice %arg5[%squeeze3A_265, %dma_start3A_272] : memref<1000000x64xf32, #tpu.memory_space<hbm>> -> memref<1x64xf32, #tpu.memory_space<hbm>>
      %dma_start3A_274 = arith.constant 0 : i32
      %dma_start3A_275 = tpu.memref_slice %arg11[%add3A_269, %dma_start3A_274] : memref<256x64xf32, #tpu.memory_space<vmem>> -> memref<1x64xf32, #tpu.memory_space<vmem>>
      %dma_start3A_276 = arith.constant 0 : i32
      %dma_start3A_277 = tpu.memref_slice %arg5[%squeeze3A_265, %dma_start3A_276] : memref<1000000x64xf32, #tpu.memory_space<hbm>> -> memref<1x64xf32, #tpu.memory_space<hbm>>
      tpu.enqueue_dma source(%dma_start3A_277 : memref<1x64xf32, #tpu.memory_space<hbm>>) target(%dma_start3A_275 : memref<1x64xf32, #tpu.memory_space<vmem>>) target_semaphore(%arg13 : memref<!tpu.dma_semaphore, #tpu.memory_space<semaphore_mem>>)
      %slice3A_278 = vector.extract_strided_slice %get3A_49 {offsets = [8], sizes = [1], strides = [1]} : vector<16xi32> to vector<1xi32>
      %squeeze3A_279 = vector.extract %slice3A_278[0] : i32 from vector<1xi32>
      %mul3A_280 = arith.constant 16 : i32
      %mul3A_281 = arith.muli %scan3A_43, %mul3A_280 : i32
      %add3A_282 = arith.constant 8 : i32
      %add3A_283 = arith.addi %mul3A_281, %add3A_282 : i32
      %dma_start3A_284 = arith.constant 0 : i32
      %dma_start3A_285 = tpu.memref_slice %arg10[%add3A_283, %dma_start3A_284] : memref<256x64xf32, #tpu.memory_space<vmem>> -> memref<1x64xf32, #tpu.memory_space<vmem>>
      %dma_start3A_286 = arith.constant 0 : i32
      %dma_start3A_287 = tpu.memref_slice %arg4[%squeeze3A_279, %dma_start3A_286] : memref<1000000x64xf32, #tpu.memory_space<hbm>> -> memref<1x64xf32, #tpu.memory_space<hbm>>
      %dma_start3A_288 = arith.constant 0 : i32
      %dma_start3A_289 = tpu.memref_slice %arg10[%add3A_283, %dma_start3A_288] : memref<256x64xf32, #tpu.memory_space<vmem>> -> memref<1x64xf32, #tpu.memory_space<vmem>>
      %dma_start3A_290 = arith.constant 0 : i32
      %dma_start3A_291 = tpu.memref_slice %arg4[%squeeze3A_279, %dma_start3A_290] : memref<1000000x64xf32, #tpu.memory_space<hbm>> -> memref<1x64xf32, #tpu.memory_space<hbm>>
      tpu.enqueue_dma source(%dma_start3A_291 : memref<1x64xf32, #tpu.memory_space<hbm>>) target(%dma_start3A_289 : memref<1x64xf32, #tpu.memory_space<vmem>>) target_semaphore(%arg12 : memref<!tpu.dma_semaphore, #tpu.memory_space<semaphore_mem>>)
      %slice3A_292 = vector.extract_strided_slice %get3A_56 {offsets = [8], sizes = [1], strides = [1]} : vector<16xi32> to vector<1xi32>
      %squeeze3A_293 = vector.extract %slice3A_292[0] : i32 from vector<1xi32>
      %mul3A_294 = arith.constant 16 : i32
      %mul3A_295 = arith.muli %scan3A_43, %mul3A_294 : i32
      %add3A_296 = arith.constant 8 : i32
      %add3A_297 = arith.addi %mul3A_295, %add3A_296 : i32
      %dma_start3A_298 = arith.constant 0 : i32
      %dma_start3A_299 = tpu.memref_slice %arg11[%add3A_297, %dma_start3A_298] : memref<256x64xf32, #tpu.memory_space<vmem>> -> memref<1x64xf32, #tpu.memory_space<vmem>>
      %dma_start3A_300 = arith.constant 0 : i32
      %dma_start3A_301 = tpu.memref_slice %arg5[%squeeze3A_293, %dma_start3A_300] : memref<1000000x64xf32, #tpu.memory_space<hbm>> -> memref<1x64xf32, #tpu.memory_space<hbm>>
      %dma_start3A_302 = arith.constant 0 : i32
      %dma_start3A_303 = tpu.memref_slice %arg11[%add3A_297, %dma_start3A_302] : memref<256x64xf32, #tpu.memory_space<vmem>> -> memref<1x64xf32, #tpu.memory_space<vmem>>
      %dma_start3A_304 = arith.constant 0 : i32
      %dma_start3A_305 = tpu.memref_slice %arg5[%squeeze3A_293, %dma_start3A_304] : memref<1000000x64xf32, #tpu.memory_space<hbm>> -> memref<1x64xf32, #tpu.memory_space<hbm>>
      tpu.enqueue_dma source(%dma_start3A_305 : memref<1x64xf32, #tpu.memory_space<hbm>>) target(%dma_start3A_303 : memref<1x64xf32, #tpu.memory_space<vmem>>) target_semaphore(%arg13 : memref<!tpu.dma_semaphore, #tpu.memory_space<semaphore_mem>>)
      %slice3A_306 = vector.extract_strided_slice %get3A_49 {offsets = [9], sizes = [1], strides = [1]} : vector<16xi32> to vector<1xi32>
      %squeeze3A_307 = vector.extract %slice3A_306[0] : i32 from vector<1xi32>
      %mul3A_308 = arith.constant 16 : i32
      %mul3A_309 = arith.muli %scan3A_43, %mul3A_308 : i32
      %add3A_310 = arith.constant 9 : i32
      %add3A_311 = arith.addi %mul3A_309, %add3A_310 : i32
      %dma_start3A_312 = arith.constant 0 : i32
      %dma_start3A_313 = tpu.memref_slice %arg10[%add3A_311, %dma_start3A_312] : memref<256x64xf32, #tpu.memory_space<vmem>> -> memref<1x64xf32, #tpu.memory_space<vmem>>
      %dma_start3A_314 = arith.constant 0 : i32
      %dma_start3A_315 = tpu.memref_slice %arg4[%squeeze3A_307, %dma_start3A_314] : memref<1000000x64xf32, #tpu.memory_space<hbm>> -> memref<1x64xf32, #tpu.memory_space<hbm>>
      %dma_start3A_316 = arith.constant 0 : i32
      %dma_start3A_317 = tpu.memref_slice %arg10[%add3A_311, %dma_start3A_316] : memref<256x64xf32, #tpu.memory_space<vmem>> -> memref<1x64xf32, #tpu.memory_space<vmem>>
      %dma_start3A_318 = arith.constant 0 : i32
      %dma_start3A_319 = tpu.memref_slice %arg4[%squeeze3A_307, %dma_start3A_318] : memref<1000000x64xf32, #tpu.memory_space<hbm>> -> memref<1x64xf32, #tpu.memory_space<hbm>>
      tpu.enqueue_dma source(%dma_start3A_319 : memref<1x64xf32, #tpu.memory_space<hbm>>) target(%dma_start3A_317 : memref<1x64xf32, #tpu.memory_space<vmem>>) target_semaphore(%arg12 : memref<!tpu.dma_semaphore, #tpu.memory_space<semaphore_mem>>)
      %slice3A_320 = vector.extract_strided_slice %get3A_56 {offsets = [9], sizes = [1], strides = [1]} : vector<16xi32> to vector<1xi32>
      %squeeze3A_321 = vector.extract %slice3A_320[0] : i32 from vector<1xi32>
      %mul3A_322 = arith.constant 16 : i32
      %mul3A_323 = arith.muli %scan3A_43, %mul3A_322 : i32
      %add3A_324 = arith.constant 9 : i32
      %add3A_325 = arith.addi %mul3A_323, %add3A_324 : i32
      %dma_start3A_326 = arith.constant 0 : i32
      %dma_start3A_327 = tpu.memref_slice %arg11[%add3A_325, %dma_start3A_326] : memref<256x64xf32, #tpu.memory_space<vmem>> -> memref<1x64xf32, #tpu.memory_space<vmem>>
      %dma_start3A_328 = arith.constant 0 : i32
      %dma_start3A_329 = tpu.memref_slice %arg5[%squeeze3A_321, %dma_start3A_328] : memref<1000000x64xf32, #tpu.memory_space<hbm>> -> memref<1x64xf32, #tpu.memory_space<hbm>>
      %dma_start3A_330 = arith.constant 0 : i32
      %dma_start3A_331 = tpu.memref_slice %arg11[%add3A_325, %dma_start3A_330] : memref<256x64xf32, #tpu.memory_space<vmem>> -> memref<1x64xf32, #tpu.memory_space<vmem>>
      %dma_start3A_332 = arith.constant 0 : i32
      %dma_start3A_333 = tpu.memref_slice %arg5[%squeeze3A_321, %dma_start3A_332] : memref<1000000x64xf32, #tpu.memory_space<hbm>> -> memref<1x64xf32, #tpu.memory_space<hbm>>
      tpu.enqueue_dma source(%dma_start3A_333 : memref<1x64xf32, #tpu.memory_space<hbm>>) target(%dma_start3A_331 : memref<1x64xf32, #tpu.memory_space<vmem>>) target_semaphore(%arg13 : memref<!tpu.dma_semaphore, #tpu.memory_space<semaphore_mem>>)
      %slice3A_334 = vector.extract_strided_slice %get3A_49 {offsets = [10], sizes = [1], strides = [1]} : vector<16xi32> to vector<1xi32>
      %squeeze3A_335 = vector.extract %slice3A_334[0] : i32 from vector<1xi32>
      %mul3A_336 = arith.constant 16 : i32
      %mul3A_337 = arith.muli %scan3A_43, %mul3A_336 : i32
      %add3A_338 = arith.constant 10 : i32
      %add3A_339 = arith.addi %mul3A_337, %add3A_338 : i32
      %dma_start3A_340 = arith.constant 0 : i32
      %dma_start3A_341 = tpu.memref_slice %arg10[%add3A_339, %dma_start3A_340] : memref<256x64xf32, #tpu.memory_space<vmem>> -> memref<1x64xf32, #tpu.memory_space<vmem>>
      %dma_start3A_342 = arith.constant 0 : i32
      %dma_start3A_343 = tpu.memref_slice %arg4[%squeeze3A_335, %dma_start3A_342] : memref<1000000x64xf32, #tpu.memory_space<hbm>> -> memref<1x64xf32, #tpu.memory_space<hbm>>
      %dma_start3A_344 = arith.constant 0 : i32
      %dma_start3A_345 = tpu.memref_slice %arg10[%add3A_339, %dma_start3A_344] : memref<256x64xf32, #tpu.memory_space<vmem>> -> memref<1x64xf32, #tpu.memory_space<vmem>>
      %dma_start3A_346 = arith.constant 0 : i32
      %dma_start3A_347 = tpu.memref_slice %arg4[%squeeze3A_335, %dma_start3A_346] : memref<1000000x64xf32, #tpu.memory_space<hbm>> -> memref<1x64xf32, #tpu.memory_space<hbm>>
      tpu.enqueue_dma source(%dma_start3A_347 : memref<1x64xf32, #tpu.memory_space<hbm>>) target(%dma_start3A_345 : memref<1x64xf32, #tpu.memory_space<vmem>>) target_semaphore(%arg12 : memref<!tpu.dma_semaphore, #tpu.memory_space<semaphore_mem>>)
      %slice3A_348 = vector.extract_strided_slice %get3A_56 {offsets = [10], sizes = [1], strides = [1]} : vector<16xi32> to vector<1xi32>
      %squeeze3A_349 = vector.extract %slice3A_348[0] : i32 from vector<1xi32>
      %mul3A_350 = arith.constant 16 : i32
      %mul3A_351 = arith.muli %scan3A_43, %mul3A_350 : i32
      %add3A_352 = arith.constant 10 : i32
      %add3A_353 = arith.addi %mul3A_351, %add3A_352 : i32
      %dma_start3A_354 = arith.constant 0 : i32
      %dma_start3A_355 = tpu.memref_slice %arg11[%add3A_353, %dma_start3A_354] : memref<256x64xf32, #tpu.memory_space<vmem>> -> memref<1x64xf32, #tpu.memory_space<vmem>>
      %dma_start3A_356 = arith.constant 0 : i32
      %dma_start3A_357 = tpu.memref_slice %arg5[%squeeze3A_349, %dma_start3A_356] : memref<1000000x64xf32, #tpu.memory_space<hbm>> -> memref<1x64xf32, #tpu.memory_space<hbm>>
      %dma_start3A_358 = arith.constant 0 : i32
      %dma_start3A_359 = tpu.memref_slice %arg11[%add3A_353, %dma_start3A_358] : memref<256x64xf32, #tpu.memory_space<vmem>> -> memref<1x64xf32, #tpu.memory_space<vmem>>
      %dma_start3A_360 = arith.constant 0 : i32
      %dma_start3A_361 = tpu.memref_slice %arg5[%squeeze3A_349, %dma_start3A_360] : memref<1000000x64xf32, #tpu.memory_space<hbm>> -> memref<1x64xf32, #tpu.memory_space<hbm>>
      tpu.enqueue_dma source(%dma_start3A_361 : memref<1x64xf32, #tpu.memory_space<hbm>>) target(%dma_start3A_359 : memref<1x64xf32, #tpu.memory_space<vmem>>) target_semaphore(%arg13 : memref<!tpu.dma_semaphore, #tpu.memory_space<semaphore_mem>>)
      %slice3A_362 = vector.extract_strided_slice %get3A_49 {offsets = [11], sizes = [1], strides = [1]} : vector<16xi32> to vector<1xi32>
      %squeeze3A_363 = vector.extract %slice3A_362[0] : i32 from vector<1xi32>
      %mul3A_364 = arith.constant 16 : i32
      %mul3A_365 = arith.muli %scan3A_43, %mul3A_364 : i32
      %add3A_366 = arith.constant 11 : i32
      %add3A_367 = arith.addi %mul3A_365, %add3A_366 : i32
      %dma_start3A_368 = arith.constant 0 : i32
      %dma_start3A_369 = tpu.memref_slice %arg10[%add3A_367, %dma_start3A_368] : memref<256x64xf32, #tpu.memory_space<vmem>> -> memref<1x64xf32, #tpu.memory_space<vmem>>
      %dma_start3A_370 = arith.constant 0 : i32
      %dma_start3A_371 = tpu.memref_slice %arg4[%squeeze3A_363, %dma_start3A_370] : memref<1000000x64xf32, #tpu.memory_space<hbm>> -> memref<1x64xf32, #tpu.memory_space<hbm>>
      %dma_start3A_372 = arith.constant 0 : i32
      %dma_start3A_373 = tpu.memref_slice %arg10[%add3A_367, %dma_start3A_372] : memref<256x64xf32, #tpu.memory_space<vmem>> -> memref<1x64xf32, #tpu.memory_space<vmem>>
      %dma_start3A_374 = arith.constant 0 : i32
      %dma_start3A_375 = tpu.memref_slice %arg4[%squeeze3A_363, %dma_start3A_374] : memref<1000000x64xf32, #tpu.memory_space<hbm>> -> memref<1x64xf32, #tpu.memory_space<hbm>>
      tpu.enqueue_dma source(%dma_start3A_375 : memref<1x64xf32, #tpu.memory_space<hbm>>) target(%dma_start3A_373 : memref<1x64xf32, #tpu.memory_space<vmem>>) target_semaphore(%arg12 : memref<!tpu.dma_semaphore, #tpu.memory_space<semaphore_mem>>)
      %slice3A_376 = vector.extract_strided_slice %get3A_56 {offsets = [11], sizes = [1], strides = [1]} : vector<16xi32> to vector<1xi32>
      %squeeze3A_377 = vector.extract %slice3A_376[0] : i32 from vector<1xi32>
      %mul3A_378 = arith.constant 16 : i32
      %mul3A_379 = arith.muli %scan3A_43, %mul3A_378 : i32
      %add3A_380 = arith.constant 11 : i32
      %add3A_381 = arith.addi %mul3A_379, %add3A_380 : i32
      %dma_start3A_382 = arith.constant 0 : i32
      %dma_start3A_383 = tpu.memref_slice %arg11[%add3A_381, %dma_start3A_382] : memref<256x64xf32, #tpu.memory_space<vmem>> -> memref<1x64xf32, #tpu.memory_space<vmem>>
      %dma_start3A_384 = arith.constant 0 : i32
      %dma_start3A_385 = tpu.memref_slice %arg5[%squeeze3A_377, %dma_start3A_384] : memref<1000000x64xf32, #tpu.memory_space<hbm>> -> memref<1x64xf32, #tpu.memory_space<hbm>>
      %dma_start3A_386 = arith.constant 0 : i32
      %dma_start3A_387 = tpu.memref_slice %arg11[%add3A_381, %dma_start3A_386] : memref<256x64xf32, #tpu.memory_space<vmem>> -> memref<1x64xf32, #tpu.memory_space<vmem>>
      %dma_start3A_388 = arith.constant 0 : i32
      %dma_start3A_389 = tpu.memref_slice %arg5[%squeeze3A_377, %dma_start3A_388] : memref<1000000x64xf32, #tpu.memory_space<hbm>> -> memref<1x64xf32, #tpu.memory_space<hbm>>
      tpu.enqueue_dma source(%dma_start3A_389 : memref<1x64xf32, #tpu.memory_space<hbm>>) target(%dma_start3A_387 : memref<1x64xf32, #tpu.memory_space<vmem>>) target_semaphore(%arg13 : memref<!tpu.dma_semaphore, #tpu.memory_space<semaphore_mem>>)
      %slice3A_390 = vector.extract_strided_slice %get3A_49 {offsets = [12], sizes = [1], strides = [1]} : vector<16xi32> to vector<1xi32>
      %squeeze3A_391 = vector.extract %slice3A_390[0] : i32 from vector<1xi32>
      %mul3A_392 = arith.constant 16 : i32
      %mul3A_393 = arith.muli %scan3A_43, %mul3A_392 : i32
      %add3A_394 = arith.constant 12 : i32
      %add3A_395 = arith.addi %mul3A_393, %add3A_394 : i32
      %dma_start3A_396 = arith.constant 0 : i32
      %dma_start3A_397 = tpu.memref_slice %arg10[%add3A_395, %dma_start3A_396] : memref<256x64xf32, #tpu.memory_space<vmem>> -> memref<1x64xf32, #tpu.memory_space<vmem>>
      %dma_start3A_398 = arith.constant 0 : i32
      %dma_start3A_399 = tpu.memref_slice %arg4[%squeeze3A_391, %dma_start3A_398] : memref<1000000x64xf32, #tpu.memory_space<hbm>> -> memref<1x64xf32, #tpu.memory_space<hbm>>
      %dma_start3A_400 = arith.constant 0 : i32
      %dma_start3A_401 = tpu.memref_slice %arg10[%add3A_395, %dma_start3A_400] : memref<256x64xf32, #tpu.memory_space<vmem>> -> memref<1x64xf32, #tpu.memory_space<vmem>>
      %dma_start3A_402 = arith.constant 0 : i32
      %dma_start3A_403 = tpu.memref_slice %arg4[%squeeze3A_391, %dma_start3A_402] : memref<1000000x64xf32, #tpu.memory_space<hbm>> -> memref<1x64xf32, #tpu.memory_space<hbm>>
      tpu.enqueue_dma source(%dma_start3A_403 : memref<1x64xf32, #tpu.memory_space<hbm>>) target(%dma_start3A_401 : memref<1x64xf32, #tpu.memory_space<vmem>>) target_semaphore(%arg12 : memref<!tpu.dma_semaphore, #tpu.memory_space<semaphore_mem>>)
      %slice3A_404 = vector.extract_strided_slice %get3A_56 {offsets = [12], sizes = [1], strides = [1]} : vector<16xi32> to vector<1xi32>
      %squeeze3A_405 = vector.extract %slice3A_404[0] : i32 from vector<1xi32>
      %mul3A_406 = arith.constant 16 : i32
      %mul3A_407 = arith.muli %scan3A_43, %mul3A_406 : i32
      %add3A_408 = arith.constant 12 : i32
      %add3A_409 = arith.addi %mul3A_407, %add3A_408 : i32
      %dma_start3A_410 = arith.constant 0 : i32
      %dma_start3A_411 = tpu.memref_slice %arg11[%add3A_409, %dma_start3A_410] : memref<256x64xf32, #tpu.memory_space<vmem>> -> memref<1x64xf32, #tpu.memory_space<vmem>>
      %dma_start3A_412 = arith.constant 0 : i32
      %dma_start3A_413 = tpu.memref_slice %arg5[%squeeze3A_405, %dma_start3A_412] : memref<1000000x64xf32, #tpu.memory_space<hbm>> -> memref<1x64xf32, #tpu.memory_space<hbm>>
      %dma_start3A_414 = arith.constant 0 : i32
      %dma_start3A_415 = tpu.memref_slice %arg11[%add3A_409, %dma_start3A_414] : memref<256x64xf32, #tpu.memory_space<vmem>> -> memref<1x64xf32, #tpu.memory_space<vmem>>
      %dma_start3A_416 = arith.constant 0 : i32
      %dma_start3A_417 = tpu.memref_slice %arg5[%squeeze3A_405, %dma_start3A_416] : memref<1000000x64xf32, #tpu.memory_space<hbm>> -> memref<1x64xf32, #tpu.memory_space<hbm>>
      tpu.enqueue_dma source(%dma_start3A_417 : memref<1x64xf32, #tpu.memory_space<hbm>>) target(%dma_start3A_415 : memref<1x64xf32, #tpu.memory_space<vmem>>) target_semaphore(%arg13 : memref<!tpu.dma_semaphore, #tpu.memory_space<semaphore_mem>>)
      %slice3A_418 = vector.extract_strided_slice %get3A_49 {offsets = [13], sizes = [1], strides = [1]} : vector<16xi32> to vector<1xi32>
      %squeeze3A_419 = vector.extract %slice3A_418[0] : i32 from vector<1xi32>
      %mul3A_420 = arith.constant 16 : i32
      %mul3A_421 = arith.muli %scan3A_43, %mul3A_420 : i32
      %add3A_422 = arith.constant 13 : i32
      %add3A_423 = arith.addi %mul3A_421, %add3A_422 : i32
      %dma_start3A_424 = arith.constant 0 : i32
      %dma_start3A_425 = tpu.memref_slice %arg10[%add3A_423, %dma_start3A_424] : memref<256x64xf32, #tpu.memory_space<vmem>> -> memref<1x64xf32, #tpu.memory_space<vmem>>
      %dma_start3A_426 = arith.constant 0 : i32
      %dma_start3A_427 = tpu.memref_slice %arg4[%squeeze3A_419, %dma_start3A_426] : memref<1000000x64xf32, #tpu.memory_space<hbm>> -> memref<1x64xf32, #tpu.memory_space<hbm>>
      %dma_start3A_428 = arith.constant 0 : i32
      %dma_start3A_429 = tpu.memref_slice %arg10[%add3A_423, %dma_start3A_428] : memref<256x64xf32, #tpu.memory_space<vmem>> -> memref<1x64xf32, #tpu.memory_space<vmem>>
      %dma_start3A_430 = arith.constant 0 : i32
      %dma_start3A_431 = tpu.memref_slice %arg4[%squeeze3A_419, %dma_start3A_430] : memref<1000000x64xf32, #tpu.memory_space<hbm>> -> memref<1x64xf32, #tpu.memory_space<hbm>>
      tpu.enqueue_dma source(%dma_start3A_431 : memref<1x64xf32, #tpu.memory_space<hbm>>) target(%dma_start3A_429 : memref<1x64xf32, #tpu.memory_space<vmem>>) target_semaphore(%arg12 : memref<!tpu.dma_semaphore, #tpu.memory_space<semaphore_mem>>)
      %slice3A_432 = vector.extract_strided_slice %get3A_56 {offsets = [13], sizes = [1], strides = [1]} : vector<16xi32> to vector<1xi32>
      %squeeze3A_433 = vector.extract %slice3A_432[0] : i32 from vector<1xi32>
      %mul3A_434 = arith.constant 16 : i32
      %mul3A_435 = arith.muli %scan3A_43, %mul3A_434 : i32
      %add3A_436 = arith.constant 13 : i32
      %add3A_437 = arith.addi %mul3A_435, %add3A_436 : i32
      %dma_start3A_438 = arith.constant 0 : i32
      %dma_start3A_439 = tpu.memref_slice %arg11[%add3A_437, %dma_start3A_438] : memref<256x64xf32, #tpu.memory_space<vmem>> -> memref<1x64xf32, #tpu.memory_space<vmem>>
      %dma_start3A_440 = arith.constant 0 : i32
      %dma_start3A_441 = tpu.memref_slice %arg5[%squeeze3A_433, %dma_start3A_440] : memref<1000000x64xf32, #tpu.memory_space<hbm>> -> memref<1x64xf32, #tpu.memory_space<hbm>>
      %dma_start3A_442 = arith.constant 0 : i32
      %dma_start3A_443 = tpu.memref_slice %arg11[%add3A_437, %dma_start3A_442] : memref<256x64xf32, #tpu.memory_space<vmem>> -> memref<1x64xf32, #tpu.memory_space<vmem>>
      %dma_start3A_444 = arith.constant 0 : i32
      %dma_start3A_445 = tpu.memref_slice %arg5[%squeeze3A_433, %dma_start3A_444] : memref<1000000x64xf32, #tpu.memory_space<hbm>> -> memref<1x64xf32, #tpu.memory_space<hbm>>
      tpu.enqueue_dma source(%dma_start3A_445 : memref<1x64xf32, #tpu.memory_space<hbm>>) target(%dma_start3A_443 : memref<1x64xf32, #tpu.memory_space<vmem>>) target_semaphore(%arg13 : memref<!tpu.dma_semaphore, #tpu.memory_space<semaphore_mem>>)
      %slice3A_446 = vector.extract_strided_slice %get3A_49 {offsets = [14], sizes = [1], strides = [1]} : vector<16xi32> to vector<1xi32>
      %squeeze3A_447 = vector.extract %slice3A_446[0] : i32 from vector<1xi32>
      %mul3A_448 = arith.constant 16 : i32
      %mul3A_449 = arith.muli %scan3A_43, %mul3A_448 : i32
      %add3A_450 = arith.constant 14 : i32
      %add3A_451 = arith.addi %mul3A_449, %add3A_450 : i32
      %dma_start3A_452 = arith.constant 0 : i32
      %dma_start3A_453 = tpu.memref_slice %arg10[%add3A_451, %dma_start3A_452] : memref<256x64xf32, #tpu.memory_space<vmem>> -> memref<1x64xf32, #tpu.memory_space<vmem>>
      %dma_start3A_454 = arith.constant 0 : i32
      %dma_start3A_455 = tpu.memref_slice %arg4[%squeeze3A_447, %dma_start3A_454] : memref<1000000x64xf32, #tpu.memory_space<hbm>> -> memref<1x64xf32, #tpu.memory_space<hbm>>
      %dma_start3A_456 = arith.constant 0 : i32
      %dma_start3A_457 = tpu.memref_slice %arg10[%add3A_451, %dma_start3A_456] : memref<256x64xf32, #tpu.memory_space<vmem>> -> memref<1x64xf32, #tpu.memory_space<vmem>>
      %dma_start3A_458 = arith.constant 0 : i32
      %dma_start3A_459 = tpu.memref_slice %arg4[%squeeze3A_447, %dma_start3A_458] : memref<1000000x64xf32, #tpu.memory_space<hbm>> -> memref<1x64xf32, #tpu.memory_space<hbm>>
      tpu.enqueue_dma source(%dma_start3A_459 : memref<1x64xf32, #tpu.memory_space<hbm>>) target(%dma_start3A_457 : memref<1x64xf32, #tpu.memory_space<vmem>>) target_semaphore(%arg12 : memref<!tpu.dma_semaphore, #tpu.memory_space<semaphore_mem>>)
      %slice3A_460 = vector.extract_strided_slice %get3A_56 {offsets = [14], sizes = [1], strides = [1]} : vector<16xi32> to vector<1xi32>
      %squeeze3A_461 = vector.extract %slice3A_460[0] : i32 from vector<1xi32>
      %mul3A_462 = arith.constant 16 : i32
      %mul3A_463 = arith.muli %scan3A_43, %mul3A_462 : i32
      %add3A_464 = arith.constant 14 : i32
      %add3A_465 = arith.addi %mul3A_463, %add3A_464 : i32
      %dma_start3A_466 = arith.constant 0 : i32
      %dma_start3A_467 = tpu.memref_slice %arg11[%add3A_465, %dma_start3A_466] : memref<256x64xf32, #tpu.memory_space<vmem>> -> memref<1x64xf32, #tpu.memory_space<vmem>>
      %dma_start3A_468 = arith.constant 0 : i32
      %dma_start3A_469 = tpu.memref_slice %arg5[%squeeze3A_461, %dma_start3A_468] : memref<1000000x64xf32, #tpu.memory_space<hbm>> -> memref<1x64xf32, #tpu.memory_space<hbm>>
      %dma_start3A_470 = arith.constant 0 : i32
      %dma_start3A_471 = tpu.memref_slice %arg11[%add3A_465, %dma_start3A_470] : memref<256x64xf32, #tpu.memory_space<vmem>> -> memref<1x64xf32, #tpu.memory_space<vmem>>
      %dma_start3A_472 = arith.constant 0 : i32
      %dma_start3A_473 = tpu.memref_slice %arg5[%squeeze3A_461, %dma_start3A_472] : memref<1000000x64xf32, #tpu.memory_space<hbm>> -> memref<1x64xf32, #tpu.memory_space<hbm>>
      tpu.enqueue_dma source(%dma_start3A_473 : memref<1x64xf32, #tpu.memory_space<hbm>>) target(%dma_start3A_471 : memref<1x64xf32, #tpu.memory_space<vmem>>) target_semaphore(%arg13 : memref<!tpu.dma_semaphore, #tpu.memory_space<semaphore_mem>>)
      %slice3A_474 = vector.extract_strided_slice %get3A_49 {offsets = [15], sizes = [1], strides = [1]} : vector<16xi32> to vector<1xi32>
      %squeeze3A_475 = vector.extract %slice3A_474[0] : i32 from vector<1xi32>
      %mul3A_476 = arith.constant 16 : i32
      %mul3A_477 = arith.muli %scan3A_43, %mul3A_476 : i32
      %add3A_478 = arith.constant 15 : i32
      %add3A_479 = arith.addi %mul3A_477, %add3A_478 : i32
      %dma_start3A_480 = arith.constant 0 : i32
      %dma_start3A_481 = tpu.memref_slice %arg10[%add3A_479, %dma_start3A_480] : memref<256x64xf32, #tpu.memory_space<vmem>> -> memref<1x64xf32, #tpu.memory_space<vmem>>
      %dma_start3A_482 = arith.constant 0 : i32
      %dma_start3A_483 = tpu.memref_slice %arg4[%squeeze3A_475, %dma_start3A_482] : memref<1000000x64xf32, #tpu.memory_space<hbm>> -> memref<1x64xf32, #tpu.memory_space<hbm>>
      %dma_start3A_484 = arith.constant 0 : i32
      %dma_start3A_485 = tpu.memref_slice %arg10[%add3A_479, %dma_start3A_484] : memref<256x64xf32, #tpu.memory_space<vmem>> -> memref<1x64xf32, #tpu.memory_space<vmem>>
      %dma_start3A_486 = arith.constant 0 : i32
      %dma_start3A_487 = tpu.memref_slice %arg4[%squeeze3A_475, %dma_start3A_486] : memref<1000000x64xf32, #tpu.memory_space<hbm>> -> memref<1x64xf32, #tpu.memory_space<hbm>>
      tpu.enqueue_dma source(%dma_start3A_487 : memref<1x64xf32, #tpu.memory_space<hbm>>) target(%dma_start3A_485 : memref<1x64xf32, #tpu.memory_space<vmem>>) target_semaphore(%arg12 : memref<!tpu.dma_semaphore, #tpu.memory_space<semaphore_mem>>)
      %slice3A_488 = vector.extract_strided_slice %get3A_56 {offsets = [15], sizes = [1], strides = [1]} : vector<16xi32> to vector<1xi32>
      %squeeze3A_489 = vector.extract %slice3A_488[0] : i32 from vector<1xi32>
      %mul3A_490 = arith.constant 16 : i32
      %mul3A_491 = arith.muli %scan3A_43, %mul3A_490 : i32
      %add3A_492 = arith.constant 15 : i32
      %add3A_493 = arith.addi %mul3A_491, %add3A_492 : i32
      %dma_start3A_494 = arith.constant 0 : i32
      %dma_start3A_495 = tpu.memref_slice %arg11[%add3A_493, %dma_start3A_494] : memref<256x64xf32, #tpu.memory_space<vmem>> -> memref<1x64xf32, #tpu.memory_space<vmem>>
      %dma_start3A_496 = arith.constant 0 : i32
      %dma_start3A_497 = tpu.memref_slice %arg5[%squeeze3A_489, %dma_start3A_496] : memref<1000000x64xf32, #tpu.memory_space<hbm>> -> memref<1x64xf32, #tpu.memory_space<hbm>>
      %dma_start3A_498 = arith.constant 0 : i32
      %dma_start3A_499 = tpu.memref_slice %arg11[%add3A_493, %dma_start3A_498] : memref<256x64xf32, #tpu.memory_space<vmem>> -> memref<1x64xf32, #tpu.memory_space<vmem>>
      %dma_start3A_500 = arith.constant 0 : i32
      %dma_start3A_501 = tpu.memref_slice %arg5[%squeeze3A_489, %dma_start3A_500] : memref<1000000x64xf32, #tpu.memory_space<hbm>> -> memref<1x64xf32, #tpu.memory_space<hbm>>
      tpu.enqueue_dma source(%dma_start3A_501 : memref<1x64xf32, #tpu.memory_space<hbm>>) target(%dma_start3A_499 : memref<1x64xf32, #tpu.memory_space<vmem>>) target_semaphore(%arg13 : memref<!tpu.dma_semaphore, #tpu.memory_space<semaphore_mem>>)
    }
    %scan3A_6 = arith.constant 16 : i32
    %dma_wait3A = arith.constant 0 : i32
    %dma_wait3A_7 = arith.constant 0 : i32
    %dma_wait3A_8 = tpu.memref_slice %arg4[%dma_wait3A, %dma_wait3A_7] : memref<1000000x64xf32, #tpu.memory_space<hbm>> -> memref<256x64xf32, #tpu.memory_space<hbm>>
    %dma_wait3A_9 = arith.constant 0 : i32
    %dma_wait3A_10 = arith.constant 0 : i32
    %dma_wait3A_11 = tpu.memref_slice %arg4[%dma_wait3A_9, %dma_wait3A_10] : memref<1000000x64xf32, #tpu.memory_space<hbm>> -> memref<256x64xf32, #tpu.memory_space<hbm>>
    tpu.wait_dma2 semaphore(%arg12 : memref<!tpu.dma_semaphore, #tpu.memory_space<semaphore_mem>>) src(%dma_wait3A_11 : memref<256x64xf32, #tpu.memory_space<hbm>>) dst(%arg10 : memref<256x64xf32, #tpu.memory_space<vmem>>)
    %dma_wait3A_12 = arith.constant 0 : i32
    %dma_wait3A_13 = arith.constant 0 : i32
    %dma_wait3A_14 = tpu.memref_slice %arg5[%dma_wait3A_12, %dma_wait3A_13] : memref<1000000x64xf32, #tpu.memory_space<hbm>> -> memref<256x64xf32, #tpu.memory_space<hbm>>
    %dma_wait3A_15 = arith.constant 0 : i32
    %dma_wait3A_16 = arith.constant 0 : i32
    %dma_wait3A_17 = tpu.memref_slice %arg5[%dma_wait3A_15, %dma_wait3A_16] : memref<1000000x64xf32, #tpu.memory_space<hbm>> -> memref<256x64xf32, #tpu.memory_space<hbm>>
    tpu.wait_dma2 semaphore(%arg13 : memref<!tpu.dma_semaphore, #tpu.memory_space<semaphore_mem>>) src(%dma_wait3A_17 : memref<256x64xf32, #tpu.memory_space<hbm>>) dst(%arg11 : memref<256x64xf32, #tpu.memory_space<vmem>>)
    %add3A_18 = arith.constant 0 : i32
    %add3A_19 = arith.addi %mul3A_2, %add3A_18 : i32
    "tpu.region"() ({
      %run_scoped3A = tpu.sem_alloc : memref<!tpu.dma_semaphore, #tpu.memory_space<semaphore_mem>>
      %dma_start3A = arith.constant 0 : i32
      %dma_start3A_43 = tpu.memref_slice %arg6[%add3A_19, %dma_start3A] : memref<16384x64xf32, #tpu.memory_space<hbm>> -> memref<256x64xf32, #tpu.memory_space<hbm>>
      %dma_start3A_44 = arith.constant 0 : i32
      %dma_start3A_45 = tpu.memref_slice %arg6[%add3A_19, %dma_start3A_44] : memref<16384x64xf32, #tpu.memory_space<hbm>> -> memref<256x64xf32, #tpu.memory_space<hbm>>
      tpu.enqueue_dma source(%arg10 : memref<256x64xf32, #tpu.memory_space<vmem>>) target(%dma_start3A_45 : memref<256x64xf32, #tpu.memory_space<hbm>>) target_semaphore(%run_scoped3A : memref<!tpu.dma_semaphore, #tpu.memory_space<semaphore_mem>>)
      %dma_wait3A_46 = arith.constant 0 : i32
      %dma_wait3A_47 = tpu.memref_slice %arg6[%add3A_19, %dma_wait3A_46] : memref<16384x64xf32, #tpu.memory_space<hbm>> -> memref<256x64xf32, #tpu.memory_space<hbm>>
      %dma_wait3A_48 = arith.constant 0 : i32
      %dma_wait3A_49 = tpu.memref_slice %arg6[%add3A_19, %dma_wait3A_48] : memref<16384x64xf32, #tpu.memory_space<hbm>> -> memref<256x64xf32, #tpu.memory_space<hbm>>
      tpu.wait_dma2 semaphore(%run_scoped3A : memref<!tpu.dma_semaphore, #tpu.memory_space<semaphore_mem>>) src(%arg10 : memref<256x64xf32, #tpu.memory_space<vmem>>) dst(%dma_wait3A_49 : memref<256x64xf32, #tpu.memory_space<hbm>>)
      tpu.yield
    }) : () -> ()
    %add3A_20 = arith.constant 0 : i32
    %add3A_21 = arith.addi %mul3A_2, %add3A_20 : i32
    "tpu.region"() ({
      %run_scoped3A = tpu.sem_alloc : memref<!tpu.dma_semaphore, #tpu.memory_space<semaphore_mem>>
      %dma_start3A = arith.constant 0 : i32
      %dma_start3A_43 = tpu.memref_slice %arg7[%add3A_21, %dma_start3A] : memref<16384x64xf32, #tpu.memory_space<hbm>> -> memref<256x64xf32, #tpu.memory_space<hbm>>
      %dma_start3A_44 = arith.constant 0 : i32
      %dma_start3A_45 = tpu.memref_slice %arg7[%add3A_21, %dma_start3A_44] : memref<16384x64xf32, #tpu.memory_space<hbm>> -> memref<256x64xf32, #tpu.memory_space<hbm>>
      tpu.enqueue_dma source(%arg11 : memref<256x64xf32, #tpu.memory_space<vmem>>) target(%dma_start3A_45 : memref<256x64xf32, #tpu.memory_space<hbm>>) target_semaphore(%run_scoped3A : memref<!tpu.dma_semaphore, #tpu.memory_space<semaphore_mem>>)
      %dma_wait3A_46 = arith.constant 0 : i32
      %dma_wait3A_47 = tpu.memref_slice %arg7[%add3A_21, %dma_wait3A_46] : memref<16384x64xf32, #tpu.memory_space<hbm>> -> memref<256x64xf32, #tpu.memory_space<hbm>>
      %dma_wait3A_48 = arith.constant 0 : i32
      %dma_wait3A_49 = tpu.memref_slice %arg7[%add3A_21, %dma_wait3A_48] : memref<16384x64xf32, #tpu.memory_space<hbm>> -> memref<256x64xf32, #tpu.memory_space<hbm>>
      tpu.wait_dma2 semaphore(%run_scoped3A : memref<!tpu.dma_semaphore, #tpu.memory_space<semaphore_mem>>) src(%arg11 : memref<256x64xf32, #tpu.memory_space<vmem>>) dst(%dma_wait3A_49 : memref<256x64xf32, #tpu.memory_space<hbm>>)
      tpu.yield
    }) : () -> ()
    %scan3A_22 = arith.constant 0 : i32
    %scan3A_23 = arith.constant 16 : i32
    %scan3A_24 = arith.addi %scan3A_22, %scan3A_23 : i32
    %scan3A_25 = arith.constant 1 : i32
    scf.for %scan3A_43 = %scan3A_22 to %scan3A_24 step %scan3A_25  : i32 {
      %mul3A_44 = arith.constant 16 : i32
      %mul3A_45 = arith.muli %scan3A_43, %mul3A_44 : i32
      %add3A_46 = arith.constant 256 : i32
      %add3A_47 = arith.addi %add3A_46, %mul3A_45 : i32
      %get3A = arith.index_cast %add3A_47 : i32 to index
      %get3A_48 = tpu.vector_load %arg8[%get3A] {strides = array<i32>} : memref<528xi32, #tpu.memory_space<vmem>>, vector<16xi32>,
      %get3A_49 = vector.shape_cast %get3A_48 : vector<16xi32> to vector<16xi32>
      %mul3A_50 = arith.constant 16 : i32
      %mul3A_51 = arith.muli %scan3A_43, %mul3A_50 : i32
      %add3A_52 = arith.constant 256 : i32
      %add3A_53 = arith.addi %add3A_52, %mul3A_51 : i32
      %get3A_54 = arith.index_cast %add3A_53 : i32 to index
      %get3A_55 = tpu.vector_load %arg9[%get3A_54] {strides = array<i32>} : memref<528xi32, #tpu.memory_space<vmem>>, vector<16xi32>,
      %get3A_56 = vector.shape_cast %get3A_55 : vector<16xi32> to vector<16xi32>
      %slice3A = vector.extract_strided_slice %get3A_49 {offsets = [0], sizes = [1], strides = [1]} : vector<16xi32> to vector<1xi32>
      %squeeze3A = vector.extract %slice3A[0] : i32 from vector<1xi32>
      %mul3A_57 = arith.constant 16 : i32
      %mul3A_58 = arith.muli %scan3A_43, %mul3A_57 : i32
      %add3A_59 = arith.constant 0 : i32
      %add3A_60 = arith.addi %mul3A_58, %add3A_59 : i32
      %dma_start3A = arith.constant 0 : i32
      %dma_start3A_61 = tpu.memref_slice %arg10[%add3A_60, %dma_start3A] : memref<256x64xf32, #tpu.memory_space<vmem>> -> memref<1x64xf32, #tpu.memory_space<vmem>>
      %dma_start3A_62 = arith.constant 0 : i32
      %dma_start3A_63 = tpu.memref_slice %arg4[%squeeze3A, %dma_start3A_62] : memref<1000000x64xf32, #tpu.memory_space<hbm>> -> memref<1x64xf32, #tpu.memory_space<hbm>>
      %dma_start3A_64 = arith.constant 0 : i32
      %dma_start3A_65 = tpu.memref_slice %arg10[%add3A_60, %dma_start3A_64] : memref<256x64xf32, #tpu.memory_space<vmem>> -> memref<1x64xf32, #tpu.memory_space<vmem>>
      %dma_start3A_66 = arith.constant 0 : i32
      %dma_start3A_67 = tpu.memref_slice %arg4[%squeeze3A, %dma_start3A_66] : memref<1000000x64xf32, #tpu.memory_space<hbm>> -> memref<1x64xf32, #tpu.memory_space<hbm>>
      tpu.enqueue_dma source(%dma_start3A_67 : memref<1x64xf32, #tpu.memory_space<hbm>>) target(%dma_start3A_65 : memref<1x64xf32, #tpu.memory_space<vmem>>) target_semaphore(%arg12 : memref<!tpu.dma_semaphore, #tpu.memory_space<semaphore_mem>>)
      %slice3A_68 = vector.extract_strided_slice %get3A_56 {offsets = [0], sizes = [1], strides = [1]} : vector<16xi32> to vector<1xi32>
      %squeeze3A_69 = vector.extract %slice3A_68[0] : i32 from vector<1xi32>
      %mul3A_70 = arith.constant 16 : i32
      %mul3A_71 = arith.muli %scan3A_43, %mul3A_70 : i32
      %add3A_72 = arith.constant 0 : i32
      %add3A_73 = arith.addi %mul3A_71, %add3A_72 : i32
      %dma_start3A_74 = arith.constant 0 : i32
      %dma_start3A_75 = tpu.memref_slice %arg11[%add3A_73, %dma_start3A_74] : memref<256x64xf32, #tpu.memory_space<vmem>> -> memref<1x64xf32, #tpu.memory_space<vmem>>
      %dma_start3A_76 = arith.constant 0 : i32
      %dma_start3A_77 = tpu.memref_slice %arg5[%squeeze3A_69, %dma_start3A_76] : memref<1000000x64xf32, #tpu.memory_space<hbm>> -> memref<1x64xf32, #tpu.memory_space<hbm>>
      %dma_start3A_78 = arith.constant 0 : i32
      %dma_start3A_79 = tpu.memref_slice %arg11[%add3A_73, %dma_start3A_78] : memref<256x64xf32, #tpu.memory_space<vmem>> -> memref<1x64xf32, #tpu.memory_space<vmem>>
      %dma_start3A_80 = arith.constant 0 : i32
      %dma_start3A_81 = tpu.memref_slice %arg5[%squeeze3A_69, %dma_start3A_80] : memref<1000000x64xf32, #tpu.memory_space<hbm>> -> memref<1x64xf32, #tpu.memory_space<hbm>>
      tpu.enqueue_dma source(%dma_start3A_81 : memref<1x64xf32, #tpu.memory_space<hbm>>) target(%dma_start3A_79 : memref<1x64xf32, #tpu.memory_space<vmem>>) target_semaphore(%arg13 : memref<!tpu.dma_semaphore, #tpu.memory_space<semaphore_mem>>)
      %slice3A_82 = vector.extract_strided_slice %get3A_49 {offsets = [1], sizes = [1], strides = [1]} : vector<16xi32> to vector<1xi32>
      %squeeze3A_83 = vector.extract %slice3A_82[0] : i32 from vector<1xi32>
      %mul3A_84 = arith.constant 16 : i32
      %mul3A_85 = arith.muli %scan3A_43, %mul3A_84 : i32
      %add3A_86 = arith.constant 1 : i32
      %add3A_87 = arith.addi %mul3A_85, %add3A_86 : i32
      %dma_start3A_88 = arith.constant 0 : i32
      %dma_start3A_89 = tpu.memref_slice %arg10[%add3A_87, %dma_start3A_88] : memref<256x64xf32, #tpu.memory_space<vmem>> -> memref<1x64xf32, #tpu.memory_space<vmem>>
      %dma_start3A_90 = arith.constant 0 : i32
      %dma_start3A_91 = tpu.memref_slice %arg4[%squeeze3A_83, %dma_start3A_90] : memref<1000000x64xf32, #tpu.memory_space<hbm>> -> memref<1x64xf32, #tpu.memory_space<hbm>>
      %dma_start3A_92 = arith.constant 0 : i32
      %dma_start3A_93 = tpu.memref_slice %arg10[%add3A_87, %dma_start3A_92] : memref<256x64xf32, #tpu.memory_space<vmem>> -> memref<1x64xf32, #tpu.memory_space<vmem>>
      %dma_start3A_94 = arith.constant 0 : i32
      %dma_start3A_95 = tpu.memref_slice %arg4[%squeeze3A_83, %dma_start3A_94] : memref<1000000x64xf32, #tpu.memory_space<hbm>> -> memref<1x64xf32, #tpu.memory_space<hbm>>
      tpu.enqueue_dma source(%dma_start3A_95 : memref<1x64xf32, #tpu.memory_space<hbm>>) target(%dma_start3A_93 : memref<1x64xf32, #tpu.memory_space<vmem>>) target_semaphore(%arg12 : memref<!tpu.dma_semaphore, #tpu.memory_space<semaphore_mem>>)
      %slice3A_96 = vector.extract_strided_slice %get3A_56 {offsets = [1], sizes = [1], strides = [1]} : vector<16xi32> to vector<1xi32>
      %squeeze3A_97 = vector.extract %slice3A_96[0] : i32 from vector<1xi32>
      %mul3A_98 = arith.constant 16 : i32
      %mul3A_99 = arith.muli %scan3A_43, %mul3A_98 : i32
      %add3A_100 = arith.constant 1 : i32
      %add3A_101 = arith.addi %mul3A_99, %add3A_100 : i32
      %dma_start3A_102 = arith.constant 0 : i32
      %dma_start3A_103 = tpu.memref_slice %arg11[%add3A_101, %dma_start3A_102] : memref<256x64xf32, #tpu.memory_space<vmem>> -> memref<1x64xf32, #tpu.memory_space<vmem>>
      %dma_start3A_104 = arith.constant 0 : i32
      %dma_start3A_105 = tpu.memref_slice %arg5[%squeeze3A_97, %dma_start3A_104] : memref<1000000x64xf32, #tpu.memory_space<hbm>> -> memref<1x64xf32, #tpu.memory_space<hbm>>
      %dma_start3A_106 = arith.constant 0 : i32
      %dma_start3A_107 = tpu.memref_slice %arg11[%add3A_101, %dma_start3A_106] : memref<256x64xf32, #tpu.memory_space<vmem>> -> memref<1x64xf32, #tpu.memory_space<vmem>>
      %dma_start3A_108 = arith.constant 0 : i32
      %dma_start3A_109 = tpu.memref_slice %arg5[%squeeze3A_97, %dma_start3A_108] : memref<1000000x64xf32, #tpu.memory_space<hbm>> -> memref<1x64xf32, #tpu.memory_space<hbm>>
      tpu.enqueue_dma source(%dma_start3A_109 : memref<1x64xf32, #tpu.memory_space<hbm>>) target(%dma_start3A_107 : memref<1x64xf32, #tpu.memory_space<vmem>>) target_semaphore(%arg13 : memref<!tpu.dma_semaphore, #tpu.memory_space<semaphore_mem>>)
      %slice3A_110 = vector.extract_strided_slice %get3A_49 {offsets = [2], sizes = [1], strides = [1]} : vector<16xi32> to vector<1xi32>
      %squeeze3A_111 = vector.extract %slice3A_110[0] : i32 from vector<1xi32>
      %mul3A_112 = arith.constant 16 : i32
      %mul3A_113 = arith.muli %scan3A_43, %mul3A_112 : i32
      %add3A_114 = arith.constant 2 : i32
      %add3A_115 = arith.addi %mul3A_113, %add3A_114 : i32
      %dma_start3A_116 = arith.constant 0 : i32
      %dma_start3A_117 = tpu.memref_slice %arg10[%add3A_115, %dma_start3A_116] : memref<256x64xf32, #tpu.memory_space<vmem>> -> memref<1x64xf32, #tpu.memory_space<vmem>>
      %dma_start3A_118 = arith.constant 0 : i32
      %dma_start3A_119 = tpu.memref_slice %arg4[%squeeze3A_111, %dma_start3A_118] : memref<1000000x64xf32, #tpu.memory_space<hbm>> -> memref<1x64xf32, #tpu.memory_space<hbm>>
      %dma_start3A_120 = arith.constant 0 : i32
      %dma_start3A_121 = tpu.memref_slice %arg10[%add3A_115, %dma_start3A_120] : memref<256x64xf32, #tpu.memory_space<vmem>> -> memref<1x64xf32, #tpu.memory_space<vmem>>
      %dma_start3A_122 = arith.constant 0 : i32
      %dma_start3A_123 = tpu.memref_slice %arg4[%squeeze3A_111, %dma_start3A_122] : memref<1000000x64xf32, #tpu.memory_space<hbm>> -> memref<1x64xf32, #tpu.memory_space<hbm>>
      tpu.enqueue_dma source(%dma_start3A_123 : memref<1x64xf32, #tpu.memory_space<hbm>>) target(%dma_start3A_121 : memref<1x64xf32, #tpu.memory_space<vmem>>) target_semaphore(%arg12 : memref<!tpu.dma_semaphore, #tpu.memory_space<semaphore_mem>>)
      %slice3A_124 = vector.extract_strided_slice %get3A_56 {offsets = [2], sizes = [1], strides = [1]} : vector<16xi32> to vector<1xi32>
      %squeeze3A_125 = vector.extract %slice3A_124[0] : i32 from vector<1xi32>
      %mul3A_126 = arith.constant 16 : i32
      %mul3A_127 = arith.muli %scan3A_43, %mul3A_126 : i32
      %add3A_128 = arith.constant 2 : i32
      %add3A_129 = arith.addi %mul3A_127, %add3A_128 : i32
      %dma_start3A_130 = arith.constant 0 : i32
      %dma_start3A_131 = tpu.memref_slice %arg11[%add3A_129, %dma_start3A_130] : memref<256x64xf32, #tpu.memory_space<vmem>> -> memref<1x64xf32, #tpu.memory_space<vmem>>
      %dma_start3A_132 = arith.constant 0 : i32
      %dma_start3A_133 = tpu.memref_slice %arg5[%squeeze3A_125, %dma_start3A_132] : memref<1000000x64xf32, #tpu.memory_space<hbm>> -> memref<1x64xf32, #tpu.memory_space<hbm>>
      %dma_start3A_134 = arith.constant 0 : i32
      %dma_start3A_135 = tpu.memref_slice %arg11[%add3A_129, %dma_start3A_134] : memref<256x64xf32, #tpu.memory_space<vmem>> -> memref<1x64xf32, #tpu.memory_space<vmem>>
      %dma_start3A_136 = arith.constant 0 : i32
      %dma_start3A_137 = tpu.memref_slice %arg5[%squeeze3A_125, %dma_start3A_136] : memref<1000000x64xf32, #tpu.memory_space<hbm>> -> memref<1x64xf32, #tpu.memory_space<hbm>>
      tpu.enqueue_dma source(%dma_start3A_137 : memref<1x64xf32, #tpu.memory_space<hbm>>) target(%dma_start3A_135 : memref<1x64xf32, #tpu.memory_space<vmem>>) target_semaphore(%arg13 : memref<!tpu.dma_semaphore, #tpu.memory_space<semaphore_mem>>)
      %slice3A_138 = vector.extract_strided_slice %get3A_49 {offsets = [3], sizes = [1], strides = [1]} : vector<16xi32> to vector<1xi32>
      %squeeze3A_139 = vector.extract %slice3A_138[0] : i32 from vector<1xi32>
      %mul3A_140 = arith.constant 16 : i32
      %mul3A_141 = arith.muli %scan3A_43, %mul3A_140 : i32
      %add3A_142 = arith.constant 3 : i32
      %add3A_143 = arith.addi %mul3A_141, %add3A_142 : i32
      %dma_start3A_144 = arith.constant 0 : i32
      %dma_start3A_145 = tpu.memref_slice %arg10[%add3A_143, %dma_start3A_144] : memref<256x64xf32, #tpu.memory_space<vmem>> -> memref<1x64xf32, #tpu.memory_space<vmem>>
      %dma_start3A_146 = arith.constant 0 : i32
      %dma_start3A_147 = tpu.memref_slice %arg4[%squeeze3A_139, %dma_start3A_146] : memref<1000000x64xf32, #tpu.memory_space<hbm>> -> memref<1x64xf32, #tpu.memory_space<hbm>>
      %dma_start3A_148 = arith.constant 0 : i32
      %dma_start3A_149 = tpu.memref_slice %arg10[%add3A_143, %dma_start3A_148] : memref<256x64xf32, #tpu.memory_space<vmem>> -> memref<1x64xf32, #tpu.memory_space<vmem>>
      %dma_start3A_150 = arith.constant 0 : i32
      %dma_start3A_151 = tpu.memref_slice %arg4[%squeeze3A_139, %dma_start3A_150] : memref<1000000x64xf32, #tpu.memory_space<hbm>> -> memref<1x64xf32, #tpu.memory_space<hbm>>
      tpu.enqueue_dma source(%dma_start3A_151 : memref<1x64xf32, #tpu.memory_space<hbm>>) target(%dma_start3A_149 : memref<1x64xf32, #tpu.memory_space<vmem>>) target_semaphore(%arg12 : memref<!tpu.dma_semaphore, #tpu.memory_space<semaphore_mem>>)
      %slice3A_152 = vector.extract_strided_slice %get3A_56 {offsets = [3], sizes = [1], strides = [1]} : vector<16xi32> to vector<1xi32>
      %squeeze3A_153 = vector.extract %slice3A_152[0] : i32 from vector<1xi32>
      %mul3A_154 = arith.constant 16 : i32
      %mul3A_155 = arith.muli %scan3A_43, %mul3A_154 : i32
      %add3A_156 = arith.constant 3 : i32
      %add3A_157 = arith.addi %mul3A_155, %add3A_156 : i32
      %dma_start3A_158 = arith.constant 0 : i32
      %dma_start3A_159 = tpu.memref_slice %arg11[%add3A_157, %dma_start3A_158] : memref<256x64xf32, #tpu.memory_space<vmem>> -> memref<1x64xf32, #tpu.memory_space<vmem>>
      %dma_start3A_160 = arith.constant 0 : i32
      %dma_start3A_161 = tpu.memref_slice %arg5[%squeeze3A_153, %dma_start3A_160] : memref<1000000x64xf32, #tpu.memory_space<hbm>> -> memref<1x64xf32, #tpu.memory_space<hbm>>
      %dma_start3A_162 = arith.constant 0 : i32
      %dma_start3A_163 = tpu.memref_slice %arg11[%add3A_157, %dma_start3A_162] : memref<256x64xf32, #tpu.memory_space<vmem>> -> memref<1x64xf32, #tpu.memory_space<vmem>>
      %dma_start3A_164 = arith.constant 0 : i32
      %dma_start3A_165 = tpu.memref_slice %arg5[%squeeze3A_153, %dma_start3A_164] : memref<1000000x64xf32, #tpu.memory_space<hbm>> -> memref<1x64xf32, #tpu.memory_space<hbm>>
      tpu.enqueue_dma source(%dma_start3A_165 : memref<1x64xf32, #tpu.memory_space<hbm>>) target(%dma_start3A_163 : memref<1x64xf32, #tpu.memory_space<vmem>>) target_semaphore(%arg13 : memref<!tpu.dma_semaphore, #tpu.memory_space<semaphore_mem>>)
      %slice3A_166 = vector.extract_strided_slice %get3A_49 {offsets = [4], sizes = [1], strides = [1]} : vector<16xi32> to vector<1xi32>
      %squeeze3A_167 = vector.extract %slice3A_166[0] : i32 from vector<1xi32>
      %mul3A_168 = arith.constant 16 : i32
      %mul3A_169 = arith.muli %scan3A_43, %mul3A_168 : i32
      %add3A_170 = arith.constant 4 : i32
      %add3A_171 = arith.addi %mul3A_169, %add3A_170 : i32
      %dma_start3A_172 = arith.constant 0 : i32
      %dma_start3A_173 = tpu.memref_slice %arg10[%add3A_171, %dma_start3A_172] : memref<256x64xf32, #tpu.memory_space<vmem>> -> memref<1x64xf32, #tpu.memory_space<vmem>>
      %dma_start3A_174 = arith.constant 0 : i32
      %dma_start3A_175 = tpu.memref_slice %arg4[%squeeze3A_167, %dma_start3A_174] : memref<1000000x64xf32, #tpu.memory_space<hbm>> -> memref<1x64xf32, #tpu.memory_space<hbm>>
      %dma_start3A_176 = arith.constant 0 : i32
      %dma_start3A_177 = tpu.memref_slice %arg10[%add3A_171, %dma_start3A_176] : memref<256x64xf32, #tpu.memory_space<vmem>> -> memref<1x64xf32, #tpu.memory_space<vmem>>
      %dma_start3A_178 = arith.constant 0 : i32
      %dma_start3A_179 = tpu.memref_slice %arg4[%squeeze3A_167, %dma_start3A_178] : memref<1000000x64xf32, #tpu.memory_space<hbm>> -> memref<1x64xf32, #tpu.memory_space<hbm>>
      tpu.enqueue_dma source(%dma_start3A_179 : memref<1x64xf32, #tpu.memory_space<hbm>>) target(%dma_start3A_177 : memref<1x64xf32, #tpu.memory_space<vmem>>) target_semaphore(%arg12 : memref<!tpu.dma_semaphore, #tpu.memory_space<semaphore_mem>>)
      %slice3A_180 = vector.extract_strided_slice %get3A_56 {offsets = [4], sizes = [1], strides = [1]} : vector<16xi32> to vector<1xi32>
      %squeeze3A_181 = vector.extract %slice3A_180[0] : i32 from vector<1xi32>
      %mul3A_182 = arith.constant 16 : i32
      %mul3A_183 = arith.muli %scan3A_43, %mul3A_182 : i32
      %add3A_184 = arith.constant 4 : i32
      %add3A_185 = arith.addi %mul3A_183, %add3A_184 : i32
      %dma_start3A_186 = arith.constant 0 : i32
      %dma_start3A_187 = tpu.memref_slice %arg11[%add3A_185, %dma_start3A_186] : memref<256x64xf32, #tpu.memory_space<vmem>> -> memref<1x64xf32, #tpu.memory_space<vmem>>
      %dma_start3A_188 = arith.constant 0 : i32
      %dma_start3A_189 = tpu.memref_slice %arg5[%squeeze3A_181, %dma_start3A_188] : memref<1000000x64xf32, #tpu.memory_space<hbm>> -> memref<1x64xf32, #tpu.memory_space<hbm>>
      %dma_start3A_190 = arith.constant 0 : i32
      %dma_start3A_191 = tpu.memref_slice %arg11[%add3A_185, %dma_start3A_190] : memref<256x64xf32, #tpu.memory_space<vmem>> -> memref<1x64xf32, #tpu.memory_space<vmem>>
      %dma_start3A_192 = arith.constant 0 : i32
      %dma_start3A_193 = tpu.memref_slice %arg5[%squeeze3A_181, %dma_start3A_192] : memref<1000000x64xf32, #tpu.memory_space<hbm>> -> memref<1x64xf32, #tpu.memory_space<hbm>>
      tpu.enqueue_dma source(%dma_start3A_193 : memref<1x64xf32, #tpu.memory_space<hbm>>) target(%dma_start3A_191 : memref<1x64xf32, #tpu.memory_space<vmem>>) target_semaphore(%arg13 : memref<!tpu.dma_semaphore, #tpu.memory_space<semaphore_mem>>)
      %slice3A_194 = vector.extract_strided_slice %get3A_49 {offsets = [5], sizes = [1], strides = [1]} : vector<16xi32> to vector<1xi32>
      %squeeze3A_195 = vector.extract %slice3A_194[0] : i32 from vector<1xi32>
      %mul3A_196 = arith.constant 16 : i32
      %mul3A_197 = arith.muli %scan3A_43, %mul3A_196 : i32
      %add3A_198 = arith.constant 5 : i32
      %add3A_199 = arith.addi %mul3A_197, %add3A_198 : i32
      %dma_start3A_200 = arith.constant 0 : i32
      %dma_start3A_201 = tpu.memref_slice %arg10[%add3A_199, %dma_start3A_200] : memref<256x64xf32, #tpu.memory_space<vmem>> -> memref<1x64xf32, #tpu.memory_space<vmem>>
      %dma_start3A_202 = arith.constant 0 : i32
      %dma_start3A_203 = tpu.memref_slice %arg4[%squeeze3A_195, %dma_start3A_202] : memref<1000000x64xf32, #tpu.memory_space<hbm>> -> memref<1x64xf32, #tpu.memory_space<hbm>>
      %dma_start3A_204 = arith.constant 0 : i32
      %dma_start3A_205 = tpu.memref_slice %arg10[%add3A_199, %dma_start3A_204] : memref<256x64xf32, #tpu.memory_space<vmem>> -> memref<1x64xf32, #tpu.memory_space<vmem>>
      %dma_start3A_206 = arith.constant 0 : i32
      %dma_start3A_207 = tpu.memref_slice %arg4[%squeeze3A_195, %dma_start3A_206] : memref<1000000x64xf32, #tpu.memory_space<hbm>> -> memref<1x64xf32, #tpu.memory_space<hbm>>
      tpu.enqueue_dma source(%dma_start3A_207 : memref<1x64xf32, #tpu.memory_space<hbm>>) target(%dma_start3A_205 : memref<1x64xf32, #tpu.memory_space<vmem>>) target_semaphore(%arg12 : memref<!tpu.dma_semaphore, #tpu.memory_space<semaphore_mem>>)
      %slice3A_208 = vector.extract_strided_slice %get3A_56 {offsets = [5], sizes = [1], strides = [1]} : vector<16xi32> to vector<1xi32>
      %squeeze3A_209 = vector.extract %slice3A_208[0] : i32 from vector<1xi32>
      %mul3A_210 = arith.constant 16 : i32
      %mul3A_211 = arith.muli %scan3A_43, %mul3A_210 : i32
      %add3A_212 = arith.constant 5 : i32
      %add3A_213 = arith.addi %mul3A_211, %add3A_212 : i32
      %dma_start3A_214 = arith.constant 0 : i32
      %dma_start3A_215 = tpu.memref_slice %arg11[%add3A_213, %dma_start3A_214] : memref<256x64xf32, #tpu.memory_space<vmem>> -> memref<1x64xf32, #tpu.memory_space<vmem>>
      %dma_start3A_216 = arith.constant 0 : i32
      %dma_start3A_217 = tpu.memref_slice %arg5[%squeeze3A_209, %dma_start3A_216] : memref<1000000x64xf32, #tpu.memory_space<hbm>> -> memref<1x64xf32, #tpu.memory_space<hbm>>
      %dma_start3A_218 = arith.constant 0 : i32
      %dma_start3A_219 = tpu.memref_slice %arg11[%add3A_213, %dma_start3A_218] : memref<256x64xf32, #tpu.memory_space<vmem>> -> memref<1x64xf32, #tpu.memory_space<vmem>>
      %dma_start3A_220 = arith.constant 0 : i32
      %dma_start3A_221 = tpu.memref_slice %arg5[%squeeze3A_209, %dma_start3A_220] : memref<1000000x64xf32, #tpu.memory_space<hbm>> -> memref<1x64xf32, #tpu.memory_space<hbm>>
      tpu.enqueue_dma source(%dma_start3A_221 : memref<1x64xf32, #tpu.memory_space<hbm>>) target(%dma_start3A_219 : memref<1x64xf32, #tpu.memory_space<vmem>>) target_semaphore(%arg13 : memref<!tpu.dma_semaphore, #tpu.memory_space<semaphore_mem>>)
      %slice3A_222 = vector.extract_strided_slice %get3A_49 {offsets = [6], sizes = [1], strides = [1]} : vector<16xi32> to vector<1xi32>
      %squeeze3A_223 = vector.extract %slice3A_222[0] : i32 from vector<1xi32>
      %mul3A_224 = arith.constant 16 : i32
      %mul3A_225 = arith.muli %scan3A_43, %mul3A_224 : i32
      %add3A_226 = arith.constant 6 : i32
      %add3A_227 = arith.addi %mul3A_225, %add3A_226 : i32
      %dma_start3A_228 = arith.constant 0 : i32
      %dma_start3A_229 = tpu.memref_slice %arg10[%add3A_227, %dma_start3A_228] : memref<256x64xf32, #tpu.memory_space<vmem>> -> memref<1x64xf32, #tpu.memory_space<vmem>>
      %dma_start3A_230 = arith.constant 0 : i32
      %dma_start3A_231 = tpu.memref_slice %arg4[%squeeze3A_223, %dma_start3A_230] : memref<1000000x64xf32, #tpu.memory_space<hbm>> -> memref<1x64xf32, #tpu.memory_space<hbm>>
      %dma_start3A_232 = arith.constant 0 : i32
      %dma_start3A_233 = tpu.memref_slice %arg10[%add3A_227, %dma_start3A_232] : memref<256x64xf32, #tpu.memory_space<vmem>> -> memref<1x64xf32, #tpu.memory_space<vmem>>
      %dma_start3A_234 = arith.constant 0 : i32
      %dma_start3A_235 = tpu.memref_slice %arg4[%squeeze3A_223, %dma_start3A_234] : memref<1000000x64xf32, #tpu.memory_space<hbm>> -> memref<1x64xf32, #tpu.memory_space<hbm>>
      tpu.enqueue_dma source(%dma_start3A_235 : memref<1x64xf32, #tpu.memory_space<hbm>>) target(%dma_start3A_233 : memref<1x64xf32, #tpu.memory_space<vmem>>) target_semaphore(%arg12 : memref<!tpu.dma_semaphore, #tpu.memory_space<semaphore_mem>>)
      %slice3A_236 = vector.extract_strided_slice %get3A_56 {offsets = [6], sizes = [1], strides = [1]} : vector<16xi32> to vector<1xi32>
      %squeeze3A_237 = vector.extract %slice3A_236[0] : i32 from vector<1xi32>
      %mul3A_238 = arith.constant 16 : i32
      %mul3A_239 = arith.muli %scan3A_43, %mul3A_238 : i32
      %add3A_240 = arith.constant 6 : i32
      %add3A_241 = arith.addi %mul3A_239, %add3A_240 : i32
      %dma_start3A_242 = arith.constant 0 : i32
      %dma_start3A_243 = tpu.memref_slice %arg11[%add3A_241, %dma_start3A_242] : memref<256x64xf32, #tpu.memory_space<vmem>> -> memref<1x64xf32, #tpu.memory_space<vmem>>
      %dma_start3A_244 = arith.constant 0 : i32
      %dma_start3A_245 = tpu.memref_slice %arg5[%squeeze3A_237, %dma_start3A_244] : memref<1000000x64xf32, #tpu.memory_space<hbm>> -> memref<1x64xf32, #tpu.memory_space<hbm>>
      %dma_start3A_246 = arith.constant 0 : i32
      %dma_start3A_247 = tpu.memref_slice %arg11[%add3A_241, %dma_start3A_246] : memref<256x64xf32, #tpu.memory_space<vmem>> -> memref<1x64xf32, #tpu.memory_space<vmem>>
      %dma_start3A_248 = arith.constant 0 : i32
      %dma_start3A_249 = tpu.memref_slice %arg5[%squeeze3A_237, %dma_start3A_248] : memref<1000000x64xf32, #tpu.memory_space<hbm>> -> memref<1x64xf32, #tpu.memory_space<hbm>>
      tpu.enqueue_dma source(%dma_start3A_249 : memref<1x64xf32, #tpu.memory_space<hbm>>) target(%dma_start3A_247 : memref<1x64xf32, #tpu.memory_space<vmem>>) target_semaphore(%arg13 : memref<!tpu.dma_semaphore, #tpu.memory_space<semaphore_mem>>)
      %slice3A_250 = vector.extract_strided_slice %get3A_49 {offsets = [7], sizes = [1], strides = [1]} : vector<16xi32> to vector<1xi32>
      %squeeze3A_251 = vector.extract %slice3A_250[0] : i32 from vector<1xi32>
      %mul3A_252 = arith.constant 16 : i32
      %mul3A_253 = arith.muli %scan3A_43, %mul3A_252 : i32
      %add3A_254 = arith.constant 7 : i32
      %add3A_255 = arith.addi %mul3A_253, %add3A_254 : i32
      %dma_start3A_256 = arith.constant 0 : i32
      %dma_start3A_257 = tpu.memref_slice %arg10[%add3A_255, %dma_start3A_256] : memref<256x64xf32, #tpu.memory_space<vmem>> -> memref<1x64xf32, #tpu.memory_space<vmem>>
      %dma_start3A_258 = arith.constant 0 : i32
      %dma_start3A_259 = tpu.memref_slice %arg4[%squeeze3A_251, %dma_start3A_258] : memref<1000000x64xf32, #tpu.memory_space<hbm>> -> memref<1x64xf32, #tpu.memory_space<hbm>>
      %dma_start3A_260 = arith.constant 0 : i32
      %dma_start3A_261 = tpu.memref_slice %arg10[%add3A_255, %dma_start3A_260] : memref<256x64xf32, #tpu.memory_space<vmem>> -> memref<1x64xf32, #tpu.memory_space<vmem>>
      %dma_start3A_262 = arith.constant 0 : i32
      %dma_start3A_263 = tpu.memref_slice %arg4[%squeeze3A_251, %dma_start3A_262] : memref<1000000x64xf32, #tpu.memory_space<hbm>> -> memref<1x64xf32, #tpu.memory_space<hbm>>
      tpu.enqueue_dma source(%dma_start3A_263 : memref<1x64xf32, #tpu.memory_space<hbm>>) target(%dma_start3A_261 : memref<1x64xf32, #tpu.memory_space<vmem>>) target_semaphore(%arg12 : memref<!tpu.dma_semaphore, #tpu.memory_space<semaphore_mem>>)
      %slice3A_264 = vector.extract_strided_slice %get3A_56 {offsets = [7], sizes = [1], strides = [1]} : vector<16xi32> to vector<1xi32>
      %squeeze3A_265 = vector.extract %slice3A_264[0] : i32 from vector<1xi32>
      %mul3A_266 = arith.constant 16 : i32
      %mul3A_267 = arith.muli %scan3A_43, %mul3A_266 : i32
      %add3A_268 = arith.constant 7 : i32
      %add3A_269 = arith.addi %mul3A_267, %add3A_268 : i32
      %dma_start3A_270 = arith.constant 0 : i32
      %dma_start3A_271 = tpu.memref_slice %arg11[%add3A_269, %dma_start3A_270] : memref<256x64xf32, #tpu.memory_space<vmem>> -> memref<1x64xf32, #tpu.memory_space<vmem>>
      %dma_start3A_272 = arith.constant 0 : i32
      %dma_start3A_273 = tpu.memref_slice %arg5[%squeeze3A_265, %dma_start3A_272] : memref<1000000x64xf32, #tpu.memory_space<hbm>> -> memref<1x64xf32, #tpu.memory_space<hbm>>
      %dma_start3A_274 = arith.constant 0 : i32
      %dma_start3A_275 = tpu.memref_slice %arg11[%add3A_269, %dma_start3A_274] : memref<256x64xf32, #tpu.memory_space<vmem>> -> memref<1x64xf32, #tpu.memory_space<vmem>>
      %dma_start3A_276 = arith.constant 0 : i32
      %dma_start3A_277 = tpu.memref_slice %arg5[%squeeze3A_265, %dma_start3A_276] : memref<1000000x64xf32, #tpu.memory_space<hbm>> -> memref<1x64xf32, #tpu.memory_space<hbm>>
      tpu.enqueue_dma source(%dma_start3A_277 : memref<1x64xf32, #tpu.memory_space<hbm>>) target(%dma_start3A_275 : memref<1x64xf32, #tpu.memory_space<vmem>>) target_semaphore(%arg13 : memref<!tpu.dma_semaphore, #tpu.memory_space<semaphore_mem>>)
      %slice3A_278 = vector.extract_strided_slice %get3A_49 {offsets = [8], sizes = [1], strides = [1]} : vector<16xi32> to vector<1xi32>
      %squeeze3A_279 = vector.extract %slice3A_278[0] : i32 from vector<1xi32>
      %mul3A_280 = arith.constant 16 : i32
      %mul3A_281 = arith.muli %scan3A_43, %mul3A_280 : i32
      %add3A_282 = arith.constant 8 : i32
      %add3A_283 = arith.addi %mul3A_281, %add3A_282 : i32
      %dma_start3A_284 = arith.constant 0 : i32
      %dma_start3A_285 = tpu.memref_slice %arg10[%add3A_283, %dma_start3A_284] : memref<256x64xf32, #tpu.memory_space<vmem>> -> memref<1x64xf32, #tpu.memory_space<vmem>>
      %dma_start3A_286 = arith.constant 0 : i32
      %dma_start3A_287 = tpu.memref_slice %arg4[%squeeze3A_279, %dma_start3A_286] : memref<1000000x64xf32, #tpu.memory_space<hbm>> -> memref<1x64xf32, #tpu.memory_space<hbm>>
      %dma_start3A_288 = arith.constant 0 : i32
      %dma_start3A_289 = tpu.memref_slice %arg10[%add3A_283, %dma_start3A_288] : memref<256x64xf32, #tpu.memory_space<vmem>> -> memref<1x64xf32, #tpu.memory_space<vmem>>
      %dma_start3A_290 = arith.constant 0 : i32
      %dma_start3A_291 = tpu.memref_slice %arg4[%squeeze3A_279, %dma_start3A_290] : memref<1000000x64xf32, #tpu.memory_space<hbm>> -> memref<1x64xf32, #tpu.memory_space<hbm>>
      tpu.enqueue_dma source(%dma_start3A_291 : memref<1x64xf32, #tpu.memory_space<hbm>>) target(%dma_start3A_289 : memref<1x64xf32, #tpu.memory_space<vmem>>) target_semaphore(%arg12 : memref<!tpu.dma_semaphore, #tpu.memory_space<semaphore_mem>>)
      %slice3A_292 = vector.extract_strided_slice %get3A_56 {offsets = [8], sizes = [1], strides = [1]} : vector<16xi32> to vector<1xi32>
      %squeeze3A_293 = vector.extract %slice3A_292[0] : i32 from vector<1xi32>
      %mul3A_294 = arith.constant 16 : i32
      %mul3A_295 = arith.muli %scan3A_43, %mul3A_294 : i32
      %add3A_296 = arith.constant 8 : i32
      %add3A_297 = arith.addi %mul3A_295, %add3A_296 : i32
      %dma_start3A_298 = arith.constant 0 : i32
      %dma_start3A_299 = tpu.memref_slice %arg11[%add3A_297, %dma_start3A_298] : memref<256x64xf32, #tpu.memory_space<vmem>> -> memref<1x64xf32, #tpu.memory_space<vmem>>
      %dma_start3A_300 = arith.constant 0 : i32
      %dma_start3A_301 = tpu.memref_slice %arg5[%squeeze3A_293, %dma_start3A_300] : memref<1000000x64xf32, #tpu.memory_space<hbm>> -> memref<1x64xf32, #tpu.memory_space<hbm>>
      %dma_start3A_302 = arith.constant 0 : i32
      %dma_start3A_303 = tpu.memref_slice %arg11[%add3A_297, %dma_start3A_302] : memref<256x64xf32, #tpu.memory_space<vmem>> -> memref<1x64xf32, #tpu.memory_space<vmem>>
      %dma_start3A_304 = arith.constant 0 : i32
      %dma_start3A_305 = tpu.memref_slice %arg5[%squeeze3A_293, %dma_start3A_304] : memref<1000000x64xf32, #tpu.memory_space<hbm>> -> memref<1x64xf32, #tpu.memory_space<hbm>>
      tpu.enqueue_dma source(%dma_start3A_305 : memref<1x64xf32, #tpu.memory_space<hbm>>) target(%dma_start3A_303 : memref<1x64xf32, #tpu.memory_space<vmem>>) target_semaphore(%arg13 : memref<!tpu.dma_semaphore, #tpu.memory_space<semaphore_mem>>)
      %slice3A_306 = vector.extract_strided_slice %get3A_49 {offsets = [9], sizes = [1], strides = [1]} : vector<16xi32> to vector<1xi32>
      %squeeze3A_307 = vector.extract %slice3A_306[0] : i32 from vector<1xi32>
      %mul3A_308 = arith.constant 16 : i32
      %mul3A_309 = arith.muli %scan3A_43, %mul3A_308 : i32
      %add3A_310 = arith.constant 9 : i32
      %add3A_311 = arith.addi %mul3A_309, %add3A_310 : i32
      %dma_start3A_312 = arith.constant 0 : i32
      %dma_start3A_313 = tpu.memref_slice %arg10[%add3A_311, %dma_start3A_312] : memref<256x64xf32, #tpu.memory_space<vmem>> -> memref<1x64xf32, #tpu.memory_space<vmem>>
      %dma_start3A_314 = arith.constant 0 : i32
      %dma_start3A_315 = tpu.memref_slice %arg4[%squeeze3A_307, %dma_start3A_314] : memref<1000000x64xf32, #tpu.memory_space<hbm>> -> memref<1x64xf32, #tpu.memory_space<hbm>>
      %dma_start3A_316 = arith.constant 0 : i32
      %dma_start3A_317 = tpu.memref_slice %arg10[%add3A_311, %dma_start3A_316] : memref<256x64xf32, #tpu.memory_space<vmem>> -> memref<1x64xf32, #tpu.memory_space<vmem>>
      %dma_start3A_318 = arith.constant 0 : i32
      %dma_start3A_319 = tpu.memref_slice %arg4[%squeeze3A_307, %dma_start3A_318] : memref<1000000x64xf32, #tpu.memory_space<hbm>> -> memref<1x64xf32, #tpu.memory_space<hbm>>
      tpu.enqueue_dma source(%dma_start3A_319 : memref<1x64xf32, #tpu.memory_space<hbm>>) target(%dma_start3A_317 : memref<1x64xf32, #tpu.memory_space<vmem>>) target_semaphore(%arg12 : memref<!tpu.dma_semaphore, #tpu.memory_space<semaphore_mem>>)
      %slice3A_320 = vector.extract_strided_slice %get3A_56 {offsets = [9], sizes = [1], strides = [1]} : vector<16xi32> to vector<1xi32>
      %squeeze3A_321 = vector.extract %slice3A_320[0] : i32 from vector<1xi32>
      %mul3A_322 = arith.constant 16 : i32
      %mul3A_323 = arith.muli %scan3A_43, %mul3A_322 : i32
      %add3A_324 = arith.constant 9 : i32
      %add3A_325 = arith.addi %mul3A_323, %add3A_324 : i32
      %dma_start3A_326 = arith.constant 0 : i32
      %dma_start3A_327 = tpu.memref_slice %arg11[%add3A_325, %dma_start3A_326] : memref<256x64xf32, #tpu.memory_space<vmem>> -> memref<1x64xf32, #tpu.memory_space<vmem>>
      %dma_start3A_328 = arith.constant 0 : i32
      %dma_start3A_329 = tpu.memref_slice %arg5[%squeeze3A_321, %dma_start3A_328] : memref<1000000x64xf32, #tpu.memory_space<hbm>> -> memref<1x64xf32, #tpu.memory_space<hbm>>
      %dma_start3A_330 = arith.constant 0 : i32
      %dma_start3A_331 = tpu.memref_slice %arg11[%add3A_325, %dma_start3A_330] : memref<256x64xf32, #tpu.memory_space<vmem>> -> memref<1x64xf32, #tpu.memory_space<vmem>>
      %dma_start3A_332 = arith.constant 0 : i32
      %dma_start3A_333 = tpu.memref_slice %arg5[%squeeze3A_321, %dma_start3A_332] : memref<1000000x64xf32, #tpu.memory_space<hbm>> -> memref<1x64xf32, #tpu.memory_space<hbm>>
      tpu.enqueue_dma source(%dma_start3A_333 : memref<1x64xf32, #tpu.memory_space<hbm>>) target(%dma_start3A_331 : memref<1x64xf32, #tpu.memory_space<vmem>>) target_semaphore(%arg13 : memref<!tpu.dma_semaphore, #tpu.memory_space<semaphore_mem>>)
      %slice3A_334 = vector.extract_strided_slice %get3A_49 {offsets = [10], sizes = [1], strides = [1]} : vector<16xi32> to vector<1xi32>
      %squeeze3A_335 = vector.extract %slice3A_334[0] : i32 from vector<1xi32>
      %mul3A_336 = arith.constant 16 : i32
      %mul3A_337 = arith.muli %scan3A_43, %mul3A_336 : i32
      %add3A_338 = arith.constant 10 : i32
      %add3A_339 = arith.addi %mul3A_337, %add3A_338 : i32
      %dma_start3A_340 = arith.constant 0 : i32
      %dma_start3A_341 = tpu.memref_slice %arg10[%add3A_339, %dma_start3A_340] : memref<256x64xf32, #tpu.memory_space<vmem>> -> memref<1x64xf32, #tpu.memory_space<vmem>>
      %dma_start3A_342 = arith.constant 0 : i32
      %dma_start3A_343 = tpu.memref_slice %arg4[%squeeze3A_335, %dma_start3A_342] : memref<1000000x64xf32, #tpu.memory_space<hbm>> -> memref<1x64xf32, #tpu.memory_space<hbm>>
      %dma_start3A_344 = arith.constant 0 : i32
      %dma_start3A_345 = tpu.memref_slice %arg10[%add3A_339, %dma_start3A_344] : memref<256x64xf32, #tpu.memory_space<vmem>> -> memref<1x64xf32, #tpu.memory_space<vmem>>
      %dma_start3A_346 = arith.constant 0 : i32
      %dma_start3A_347 = tpu.memref_slice %arg4[%squeeze3A_335, %dma_start3A_346] : memref<1000000x64xf32, #tpu.memory_space<hbm>> -> memref<1x64xf32, #tpu.memory_space<hbm>>
      tpu.enqueue_dma source(%dma_start3A_347 : memref<1x64xf32, #tpu.memory_space<hbm>>) target(%dma_start3A_345 : memref<1x64xf32, #tpu.memory_space<vmem>>) target_semaphore(%arg12 : memref<!tpu.dma_semaphore, #tpu.memory_space<semaphore_mem>>)
      %slice3A_348 = vector.extract_strided_slice %get3A_56 {offsets = [10], sizes = [1], strides = [1]} : vector<16xi32> to vector<1xi32>
      %squeeze3A_349 = vector.extract %slice3A_348[0] : i32 from vector<1xi32>
      %mul3A_350 = arith.constant 16 : i32
      %mul3A_351 = arith.muli %scan3A_43, %mul3A_350 : i32
      %add3A_352 = arith.constant 10 : i32
      %add3A_353 = arith.addi %mul3A_351, %add3A_352 : i32
      %dma_start3A_354 = arith.constant 0 : i32
      %dma_start3A_355 = tpu.memref_slice %arg11[%add3A_353, %dma_start3A_354] : memref<256x64xf32, #tpu.memory_space<vmem>> -> memref<1x64xf32, #tpu.memory_space<vmem>>
      %dma_start3A_356 = arith.constant 0 : i32
      %dma_start3A_357 = tpu.memref_slice %arg5[%squeeze3A_349, %dma_start3A_356] : memref<1000000x64xf32, #tpu.memory_space<hbm>> -> memref<1x64xf32, #tpu.memory_space<hbm>>
      %dma_start3A_358 = arith.constant 0 : i32
      %dma_start3A_359 = tpu.memref_slice %arg11[%add3A_353, %dma_start3A_358] : memref<256x64xf32, #tpu.memory_space<vmem>> -> memref<1x64xf32, #tpu.memory_space<vmem>>
      %dma_start3A_360 = arith.constant 0 : i32
      %dma_start3A_361 = tpu.memref_slice %arg5[%squeeze3A_349, %dma_start3A_360] : memref<1000000x64xf32, #tpu.memory_space<hbm>> -> memref<1x64xf32, #tpu.memory_space<hbm>>
      tpu.enqueue_dma source(%dma_start3A_361 : memref<1x64xf32, #tpu.memory_space<hbm>>) target(%dma_start3A_359 : memref<1x64xf32, #tpu.memory_space<vmem>>) target_semaphore(%arg13 : memref<!tpu.dma_semaphore, #tpu.memory_space<semaphore_mem>>)
      %slice3A_362 = vector.extract_strided_slice %get3A_49 {offsets = [11], sizes = [1], strides = [1]} : vector<16xi32> to vector<1xi32>
      %squeeze3A_363 = vector.extract %slice3A_362[0] : i32 from vector<1xi32>
      %mul3A_364 = arith.constant 16 : i32
      %mul3A_365 = arith.muli %scan3A_43, %mul3A_364 : i32
      %add3A_366 = arith.constant 11 : i32
      %add3A_367 = arith.addi %mul3A_365, %add3A_366 : i32
      %dma_start3A_368 = arith.constant 0 : i32
      %dma_start3A_369 = tpu.memref_slice %arg10[%add3A_367, %dma_start3A_368] : memref<256x64xf32, #tpu.memory_space<vmem>> -> memref<1x64xf32, #tpu.memory_space<vmem>>
      %dma_start3A_370 = arith.constant 0 : i32
      %dma_start3A_371 = tpu.memref_slice %arg4[%squeeze3A_363, %dma_start3A_370] : memref<1000000x64xf32, #tpu.memory_space<hbm>> -> memref<1x64xf32, #tpu.memory_space<hbm>>
      %dma_start3A_372 = arith.constant 0 : i32
      %dma_start3A_373 = tpu.memref_slice %arg10[%add3A_367, %dma_start3A_372] : memref<256x64xf32, #tpu.memory_space<vmem>> -> memref<1x64xf32, #tpu.memory_space<vmem>>
      %dma_start3A_374 = arith.constant 0 : i32
      %dma_start3A_375 = tpu.memref_slice %arg4[%squeeze3A_363, %dma_start3A_374] : memref<1000000x64xf32, #tpu.memory_space<hbm>> -> memref<1x64xf32, #tpu.memory_space<hbm>>
      tpu.enqueue_dma source(%dma_start3A_375 : memref<1x64xf32, #tpu.memory_space<hbm>>) target(%dma_start3A_373 : memref<1x64xf32, #tpu.memory_space<vmem>>) target_semaphore(%arg12 : memref<!tpu.dma_semaphore, #tpu.memory_space<semaphore_mem>>)
      %slice3A_376 = vector.extract_strided_slice %get3A_56 {offsets = [11], sizes = [1], strides = [1]} : vector<16xi32> to vector<1xi32>
      %squeeze3A_377 = vector.extract %slice3A_376[0] : i32 from vector<1xi32>
      %mul3A_378 = arith.constant 16 : i32
      %mul3A_379 = arith.muli %scan3A_43, %mul3A_378 : i32
      %add3A_380 = arith.constant 11 : i32
      %add3A_381 = arith.addi %mul3A_379, %add3A_380 : i32
      %dma_start3A_382 = arith.constant 0 : i32
      %dma_start3A_383 = tpu.memref_slice %arg11[%add3A_381, %dma_start3A_382] : memref<256x64xf32, #tpu.memory_space<vmem>> -> memref<1x64xf32, #tpu.memory_space<vmem>>
      %dma_start3A_384 = arith.constant 0 : i32
      %dma_start3A_385 = tpu.memref_slice %arg5[%squeeze3A_377, %dma_start3A_384] : memref<1000000x64xf32, #tpu.memory_space<hbm>> -> memref<1x64xf32, #tpu.memory_space<hbm>>
      %dma_start3A_386 = arith.constant 0 : i32
      %dma_start3A_387 = tpu.memref_slice %arg11[%add3A_381, %dma_start3A_386] : memref<256x64xf32, #tpu.memory_space<vmem>> -> memref<1x64xf32, #tpu.memory_space<vmem>>
      %dma_start3A_388 = arith.constant 0 : i32
      %dma_start3A_389 = tpu.memref_slice %arg5[%squeeze3A_377, %dma_start3A_388] : memref<1000000x64xf32, #tpu.memory_space<hbm>> -> memref<1x64xf32, #tpu.memory_space<hbm>>
      tpu.enqueue_dma source(%dma_start3A_389 : memref<1x64xf32, #tpu.memory_space<hbm>>) target(%dma_start3A_387 : memref<1x64xf32, #tpu.memory_space<vmem>>) target_semaphore(%arg13 : memref<!tpu.dma_semaphore, #tpu.memory_space<semaphore_mem>>)
      %slice3A_390 = vector.extract_strided_slice %get3A_49 {offsets = [12], sizes = [1], strides = [1]} : vector<16xi32> to vector<1xi32>
      %squeeze3A_391 = vector.extract %slice3A_390[0] : i32 from vector<1xi32>
      %mul3A_392 = arith.constant 16 : i32
      %mul3A_393 = arith.muli %scan3A_43, %mul3A_392 : i32
      %add3A_394 = arith.constant 12 : i32
      %add3A_395 = arith.addi %mul3A_393, %add3A_394 : i32
      %dma_start3A_396 = arith.constant 0 : i32
      %dma_start3A_397 = tpu.memref_slice %arg10[%add3A_395, %dma_start3A_396] : memref<256x64xf32, #tpu.memory_space<vmem>> -> memref<1x64xf32, #tpu.memory_space<vmem>>
      %dma_start3A_398 = arith.constant 0 : i32
      %dma_start3A_399 = tpu.memref_slice %arg4[%squeeze3A_391, %dma_start3A_398] : memref<1000000x64xf32, #tpu.memory_space<hbm>> -> memref<1x64xf32, #tpu.memory_space<hbm>>
      %dma_start3A_400 = arith.constant 0 : i32
      %dma_start3A_401 = tpu.memref_slice %arg10[%add3A_395, %dma_start3A_400] : memref<256x64xf32, #tpu.memory_space<vmem>> -> memref<1x64xf32, #tpu.memory_space<vmem>>
      %dma_start3A_402 = arith.constant 0 : i32
      %dma_start3A_403 = tpu.memref_slice %arg4[%squeeze3A_391, %dma_start3A_402] : memref<1000000x64xf32, #tpu.memory_space<hbm>> -> memref<1x64xf32, #tpu.memory_space<hbm>>
      tpu.enqueue_dma source(%dma_start3A_403 : memref<1x64xf32, #tpu.memory_space<hbm>>) target(%dma_start3A_401 : memref<1x64xf32, #tpu.memory_space<vmem>>) target_semaphore(%arg12 : memref<!tpu.dma_semaphore, #tpu.memory_space<semaphore_mem>>)
      %slice3A_404 = vector.extract_strided_slice %get3A_56 {offsets = [12], sizes = [1], strides = [1]} : vector<16xi32> to vector<1xi32>
      %squeeze3A_405 = vector.extract %slice3A_404[0] : i32 from vector<1xi32>
      %mul3A_406 = arith.constant 16 : i32
      %mul3A_407 = arith.muli %scan3A_43, %mul3A_406 : i32
      %add3A_408 = arith.constant 12 : i32
      %add3A_409 = arith.addi %mul3A_407, %add3A_408 : i32
      %dma_start3A_410 = arith.constant 0 : i32
      %dma_start3A_411 = tpu.memref_slice %arg11[%add3A_409, %dma_start3A_410] : memref<256x64xf32, #tpu.memory_space<vmem>> -> memref<1x64xf32, #tpu.memory_space<vmem>>
      %dma_start3A_412 = arith.constant 0 : i32
      %dma_start3A_413 = tpu.memref_slice %arg5[%squeeze3A_405, %dma_start3A_412] : memref<1000000x64xf32, #tpu.memory_space<hbm>> -> memref<1x64xf32, #tpu.memory_space<hbm>>
      %dma_start3A_414 = arith.constant 0 : i32
      %dma_start3A_415 = tpu.memref_slice %arg11[%add3A_409, %dma_start3A_414] : memref<256x64xf32, #tpu.memory_space<vmem>> -> memref<1x64xf32, #tpu.memory_space<vmem>>
      %dma_start3A_416 = arith.constant 0 : i32
      %dma_start3A_417 = tpu.memref_slice %arg5[%squeeze3A_405, %dma_start3A_416] : memref<1000000x64xf32, #tpu.memory_space<hbm>> -> memref<1x64xf32, #tpu.memory_space<hbm>>
      tpu.enqueue_dma source(%dma_start3A_417 : memref<1x64xf32, #tpu.memory_space<hbm>>) target(%dma_start3A_415 : memref<1x64xf32, #tpu.memory_space<vmem>>) target_semaphore(%arg13 : memref<!tpu.dma_semaphore, #tpu.memory_space<semaphore_mem>>)
      %slice3A_418 = vector.extract_strided_slice %get3A_49 {offsets = [13], sizes = [1], strides = [1]} : vector<16xi32> to vector<1xi32>
      %squeeze3A_419 = vector.extract %slice3A_418[0] : i32 from vector<1xi32>
      %mul3A_420 = arith.constant 16 : i32
      %mul3A_421 = arith.muli %scan3A_43, %mul3A_420 : i32
      %add3A_422 = arith.constant 13 : i32
      %add3A_423 = arith.addi %mul3A_421, %add3A_422 : i32
      %dma_start3A_424 = arith.constant 0 : i32
      %dma_start3A_425 = tpu.memref_slice %arg10[%add3A_423, %dma_start3A_424] : memref<256x64xf32, #tpu.memory_space<vmem>> -> memref<1x64xf32, #tpu.memory_space<vmem>>
      %dma_start3A_426 = arith.constant 0 : i32
      %dma_start3A_427 = tpu.memref_slice %arg4[%squeeze3A_419, %dma_start3A_426] : memref<1000000x64xf32, #tpu.memory_space<hbm>> -> memref<1x64xf32, #tpu.memory_space<hbm>>
      %dma_start3A_428 = arith.constant 0 : i32
      %dma_start3A_429 = tpu.memref_slice %arg10[%add3A_423, %dma_start3A_428] : memref<256x64xf32, #tpu.memory_space<vmem>> -> memref<1x64xf32, #tpu.memory_space<vmem>>
      %dma_start3A_430 = arith.constant 0 : i32
      %dma_start3A_431 = tpu.memref_slice %arg4[%squeeze3A_419, %dma_start3A_430] : memref<1000000x64xf32, #tpu.memory_space<hbm>> -> memref<1x64xf32, #tpu.memory_space<hbm>>
      tpu.enqueue_dma source(%dma_start3A_431 : memref<1x64xf32, #tpu.memory_space<hbm>>) target(%dma_start3A_429 : memref<1x64xf32, #tpu.memory_space<vmem>>) target_semaphore(%arg12 : memref<!tpu.dma_semaphore, #tpu.memory_space<semaphore_mem>>)
      %slice3A_432 = vector.extract_strided_slice %get3A_56 {offsets = [13], sizes = [1], strides = [1]} : vector<16xi32> to vector<1xi32>
      %squeeze3A_433 = vector.extract %slice3A_432[0] : i32 from vector<1xi32>
      %mul3A_434 = arith.constant 16 : i32
      %mul3A_435 = arith.muli %scan3A_43, %mul3A_434 : i32
      %add3A_436 = arith.constant 13 : i32
      %add3A_437 = arith.addi %mul3A_435, %add3A_436 : i32
      %dma_start3A_438 = arith.constant 0 : i32
      %dma_start3A_439 = tpu.memref_slice %arg11[%add3A_437, %dma_start3A_438] : memref<256x64xf32, #tpu.memory_space<vmem>> -> memref<1x64xf32, #tpu.memory_space<vmem>>
      %dma_start3A_440 = arith.constant 0 : i32
      %dma_start3A_441 = tpu.memref_slice %arg5[%squeeze3A_433, %dma_start3A_440] : memref<1000000x64xf32, #tpu.memory_space<hbm>> -> memref<1x64xf32, #tpu.memory_space<hbm>>
      %dma_start3A_442 = arith.constant 0 : i32
      %dma_start3A_443 = tpu.memref_slice %arg11[%add3A_437, %dma_start3A_442] : memref<256x64xf32, #tpu.memory_space<vmem>> -> memref<1x64xf32, #tpu.memory_space<vmem>>
      %dma_start3A_444 = arith.constant 0 : i32
      %dma_start3A_445 = tpu.memref_slice %arg5[%squeeze3A_433, %dma_start3A_444] : memref<1000000x64xf32, #tpu.memory_space<hbm>> -> memref<1x64xf32, #tpu.memory_space<hbm>>
      tpu.enqueue_dma source(%dma_start3A_445 : memref<1x64xf32, #tpu.memory_space<hbm>>) target(%dma_start3A_443 : memref<1x64xf32, #tpu.memory_space<vmem>>) target_semaphore(%arg13 : memref<!tpu.dma_semaphore, #tpu.memory_space<semaphore_mem>>)
      %slice3A_446 = vector.extract_strided_slice %get3A_49 {offsets = [14], sizes = [1], strides = [1]} : vector<16xi32> to vector<1xi32>
      %squeeze3A_447 = vector.extract %slice3A_446[0] : i32 from vector<1xi32>
      %mul3A_448 = arith.constant 16 : i32
      %mul3A_449 = arith.muli %scan3A_43, %mul3A_448 : i32
      %add3A_450 = arith.constant 14 : i32
      %add3A_451 = arith.addi %mul3A_449, %add3A_450 : i32
      %dma_start3A_452 = arith.constant 0 : i32
      %dma_start3A_453 = tpu.memref_slice %arg10[%add3A_451, %dma_start3A_452] : memref<256x64xf32, #tpu.memory_space<vmem>> -> memref<1x64xf32, #tpu.memory_space<vmem>>
      %dma_start3A_454 = arith.constant 0 : i32
      %dma_start3A_455 = tpu.memref_slice %arg4[%squeeze3A_447, %dma_start3A_454] : memref<1000000x64xf32, #tpu.memory_space<hbm>> -> memref<1x64xf32, #tpu.memory_space<hbm>>
      %dma_start3A_456 = arith.constant 0 : i32
      %dma_start3A_457 = tpu.memref_slice %arg10[%add3A_451, %dma_start3A_456] : memref<256x64xf32, #tpu.memory_space<vmem>> -> memref<1x64xf32, #tpu.memory_space<vmem>>
      %dma_start3A_458 = arith.constant 0 : i32
      %dma_start3A_459 = tpu.memref_slice %arg4[%squeeze3A_447, %dma_start3A_458] : memref<1000000x64xf32, #tpu.memory_space<hbm>> -> memref<1x64xf32, #tpu.memory_space<hbm>>
      tpu.enqueue_dma source(%dma_start3A_459 : memref<1x64xf32, #tpu.memory_space<hbm>>) target(%dma_start3A_457 : memref<1x64xf32, #tpu.memory_space<vmem>>) target_semaphore(%arg12 : memref<!tpu.dma_semaphore, #tpu.memory_space<semaphore_mem>>)
      %slice3A_460 = vector.extract_strided_slice %get3A_56 {offsets = [14], sizes = [1], strides = [1]} : vector<16xi32> to vector<1xi32>
      %squeeze3A_461 = vector.extract %slice3A_460[0] : i32 from vector<1xi32>
      %mul3A_462 = arith.constant 16 : i32
      %mul3A_463 = arith.muli %scan3A_43, %mul3A_462 : i32
      %add3A_464 = arith.constant 14 : i32
      %add3A_465 = arith.addi %mul3A_463, %add3A_464 : i32
      %dma_start3A_466 = arith.constant 0 : i32
      %dma_start3A_467 = tpu.memref_slice %arg11[%add3A_465, %dma_start3A_466] : memref<256x64xf32, #tpu.memory_space<vmem>> -> memref<1x64xf32, #tpu.memory_space<vmem>>
      %dma_start3A_468 = arith.constant 0 : i32
      %dma_start3A_469 = tpu.memref_slice %arg5[%squeeze3A_461, %dma_start3A_468] : memref<1000000x64xf32, #tpu.memory_space<hbm>> -> memref<1x64xf32, #tpu.memory_space<hbm>>
      %dma_start3A_470 = arith.constant 0 : i32
      %dma_start3A_471 = tpu.memref_slice %arg11[%add3A_465, %dma_start3A_470] : memref<256x64xf32, #tpu.memory_space<vmem>> -> memref<1x64xf32, #tpu.memory_space<vmem>>
      %dma_start3A_472 = arith.constant 0 : i32
      %dma_start3A_473 = tpu.memref_slice %arg5[%squeeze3A_461, %dma_start3A_472] : memref<1000000x64xf32, #tpu.memory_space<hbm>> -> memref<1x64xf32, #tpu.memory_space<hbm>>
      tpu.enqueue_dma source(%dma_start3A_473 : memref<1x64xf32, #tpu.memory_space<hbm>>) target(%dma_start3A_471 : memref<1x64xf32, #tpu.memory_space<vmem>>) target_semaphore(%arg13 : memref<!tpu.dma_semaphore, #tpu.memory_space<semaphore_mem>>)
      %slice3A_474 = vector.extract_strided_slice %get3A_49 {offsets = [15], sizes = [1], strides = [1]} : vector<16xi32> to vector<1xi32>
      %squeeze3A_475 = vector.extract %slice3A_474[0] : i32 from vector<1xi32>
      %mul3A_476 = arith.constant 16 : i32
      %mul3A_477 = arith.muli %scan3A_43, %mul3A_476 : i32
      %add3A_478 = arith.constant 15 : i32
      %add3A_479 = arith.addi %mul3A_477, %add3A_478 : i32
      %dma_start3A_480 = arith.constant 0 : i32
      %dma_start3A_481 = tpu.memref_slice %arg10[%add3A_479, %dma_start3A_480] : memref<256x64xf32, #tpu.memory_space<vmem>> -> memref<1x64xf32, #tpu.memory_space<vmem>>
      %dma_start3A_482 = arith.constant 0 : i32
      %dma_start3A_483 = tpu.memref_slice %arg4[%squeeze3A_475, %dma_start3A_482] : memref<1000000x64xf32, #tpu.memory_space<hbm>> -> memref<1x64xf32, #tpu.memory_space<hbm>>
      %dma_start3A_484 = arith.constant 0 : i32
      %dma_start3A_485 = tpu.memref_slice %arg10[%add3A_479, %dma_start3A_484] : memref<256x64xf32, #tpu.memory_space<vmem>> -> memref<1x64xf32, #tpu.memory_space<vmem>>
      %dma_start3A_486 = arith.constant 0 : i32
      %dma_start3A_487 = tpu.memref_slice %arg4[%squeeze3A_475, %dma_start3A_486] : memref<1000000x64xf32, #tpu.memory_space<hbm>> -> memref<1x64xf32, #tpu.memory_space<hbm>>
      tpu.enqueue_dma source(%dma_start3A_487 : memref<1x64xf32, #tpu.memory_space<hbm>>) target(%dma_start3A_485 : memref<1x64xf32, #tpu.memory_space<vmem>>) target_semaphore(%arg12 : memref<!tpu.dma_semaphore, #tpu.memory_space<semaphore_mem>>)
      %slice3A_488 = vector.extract_strided_slice %get3A_56 {offsets = [15], sizes = [1], strides = [1]} : vector<16xi32> to vector<1xi32>
      %squeeze3A_489 = vector.extract %slice3A_488[0] : i32 from vector<1xi32>
      %mul3A_490 = arith.constant 16 : i32
      %mul3A_491 = arith.muli %scan3A_43, %mul3A_490 : i32
      %add3A_492 = arith.constant 15 : i32
      %add3A_493 = arith.addi %mul3A_491, %add3A_492 : i32
      %dma_start3A_494 = arith.constant 0 : i32
      %dma_start3A_495 = tpu.memref_slice %arg11[%add3A_493, %dma_start3A_494] : memref<256x64xf32, #tpu.memory_space<vmem>> -> memref<1x64xf32, #tpu.memory_space<vmem>>
      %dma_start3A_496 = arith.constant 0 : i32
      %dma_start3A_497 = tpu.memref_slice %arg5[%squeeze3A_489, %dma_start3A_496] : memref<1000000x64xf32, #tpu.memory_space<hbm>> -> memref<1x64xf32, #tpu.memory_space<hbm>>
      %dma_start3A_498 = arith.constant 0 : i32
      %dma_start3A_499 = tpu.memref_slice %arg11[%add3A_493, %dma_start3A_498] : memref<256x64xf32, #tpu.memory_space<vmem>> -> memref<1x64xf32, #tpu.memory_space<vmem>>
      %dma_start3A_500 = arith.constant 0 : i32
      %dma_start3A_501 = tpu.memref_slice %arg5[%squeeze3A_489, %dma_start3A_500] : memref<1000000x64xf32, #tpu.memory_space<hbm>> -> memref<1x64xf32, #tpu.memory_space<hbm>>
      tpu.enqueue_dma source(%dma_start3A_501 : memref<1x64xf32, #tpu.memory_space<hbm>>) target(%dma_start3A_499 : memref<1x64xf32, #tpu.memory_space<vmem>>) target_semaphore(%arg13 : memref<!tpu.dma_semaphore, #tpu.memory_space<semaphore_mem>>)
    }
    %scan3A_26 = arith.constant 16 : i32
    %dma_wait3A_27 = arith.constant 0 : i32
    %dma_wait3A_28 = arith.constant 0 : i32
    %dma_wait3A_29 = tpu.memref_slice %arg4[%dma_wait3A_27, %dma_wait3A_28] : memref<1000000x64xf32, #tpu.memory_space<hbm>> -> memref<256x64xf32, #tpu.memory_space<hbm>>
    %dma_wait3A_30 = arith.constant 0 : i32
    %dma_wait3A_31 = arith.constant 0 : i32
    %dma_wait3A_32 = tpu.memref_slice %arg4[%dma_wait3A_30, %dma_wait3A_31] : memref<1000000x64xf32, #tpu.memory_space<hbm>> -> memref<256x64xf32, #tpu.memory_space<hbm>>
    tpu.wait_dma2 semaphore(%arg12 : memref<!tpu.dma_semaphore, #tpu.memory_space<semaphore_mem>>) src(%dma_wait3A_32 : memref<256x64xf32, #tpu.memory_space<hbm>>) dst(%arg10 : memref<256x64xf32, #tpu.memory_space<vmem>>)
    %dma_wait3A_33 = arith.constant 0 : i32
    %dma_wait3A_34 = arith.constant 0 : i32
    %dma_wait3A_35 = tpu.memref_slice %arg5[%dma_wait3A_33, %dma_wait3A_34] : memref<1000000x64xf32, #tpu.memory_space<hbm>> -> memref<256x64xf32, #tpu.memory_space<hbm>>
    %dma_wait3A_36 = arith.constant 0 : i32
    %dma_wait3A_37 = arith.constant 0 : i32
    %dma_wait3A_38 = tpu.memref_slice %arg5[%dma_wait3A_36, %dma_wait3A_37] : memref<1000000x64xf32, #tpu.memory_space<hbm>> -> memref<256x64xf32, #tpu.memory_space<hbm>>
    tpu.wait_dma2 semaphore(%arg13 : memref<!tpu.dma_semaphore, #tpu.memory_space<semaphore_mem>>) src(%dma_wait3A_38 : memref<256x64xf32, #tpu.memory_space<hbm>>) dst(%arg11 : memref<256x64xf32, #tpu.memory_space<vmem>>)
    %add3A_39 = arith.constant 256 : i32
    %add3A_40 = arith.addi %mul3A_2, %add3A_39 : i32
    "tpu.region"() ({
      %run_scoped3A = tpu.sem_alloc : memref<!tpu.dma_semaphore, #tpu.memory_space<semaphore_mem>>
      %dma_start3A = arith.constant 0 : i32
      %dma_start3A_43 = tpu.memref_slice %arg6[%add3A_40, %dma_start3A] : memref<16384x64xf32, #tpu.memory_space<hbm>> -> memref<256x64xf32, #tpu.memory_space<hbm>>
      %dma_start3A_44 = arith.constant 0 : i32
      %dma_start3A_45 = tpu.memref_slice %arg6[%add3A_40, %dma_start3A_44] : memref<16384x64xf32, #tpu.memory_space<hbm>> -> memref<256x64xf32, #tpu.memory_space<hbm>>
      tpu.enqueue_dma source(%arg10 : memref<256x64xf32, #tpu.memory_space<vmem>>) target(%dma_start3A_45 : memref<256x64xf32, #tpu.memory_space<hbm>>) target_semaphore(%run_scoped3A : memref<!tpu.dma_semaphore, #tpu.memory_space<semaphore_mem>>)
      %dma_wait3A_46 = arith.constant 0 : i32
      %dma_wait3A_47 = tpu.memref_slice %arg6[%add3A_40, %dma_wait3A_46] : memref<16384x64xf32, #tpu.memory_space<hbm>> -> memref<256x64xf32, #tpu.memory_space<hbm>>
      %dma_wait3A_48 = arith.constant 0 : i32
      %dma_wait3A_49 = tpu.memref_slice %arg6[%add3A_40, %dma_wait3A_48] : memref<16384x64xf32, #tpu.memory_space<hbm>> -> memref<256x64xf32, #tpu.memory_space<hbm>>
      tpu.wait_dma2 semaphore(%run_scoped3A : memref<!tpu.dma_semaphore, #tpu.memory_space<semaphore_mem>>) src(%arg10 : memref<256x64xf32, #tpu.memory_space<vmem>>) dst(%dma_wait3A_49 : memref<256x64xf32, #tpu.memory_space<hbm>>)
      tpu.yield
    }) : () -> ()
    %add3A_41 = arith.constant 256 : i32
    %add3A_42 = arith.addi %mul3A_2, %add3A_41 : i32
    "tpu.region"() ({
      %run_scoped3A = tpu.sem_alloc : memref<!tpu.dma_semaphore, #tpu.memory_space<semaphore_mem>>
      %dma_start3A = arith.constant 0 : i32
      %dma_start3A_43 = tpu.memref_slice %arg7[%add3A_42, %dma_start3A] : memref<16384x64xf32, #tpu.memory_space<hbm>> -> memref<256x64xf32, #tpu.memory_space<hbm>>
      %dma_start3A_44 = arith.constant 0 : i32
      %dma_start3A_45 = tpu.memref_slice %arg7[%add3A_42, %dma_start3A_44] : memref<16384x64xf32, #tpu.memory_space<hbm>> -> memref<256x64xf32, #tpu.memory_space<hbm>>
      tpu.enqueue_dma source(%arg11 : memref<256x64xf32, #tpu.memory_space<vmem>>) target(%dma_start3A_45 : memref<256x64xf32, #tpu.memory_space<hbm>>) target_semaphore(%run_scoped3A : memref<!tpu.dma_semaphore, #tpu.memory_space<semaphore_mem>>)
      %dma_wait3A_46 = arith.constant 0 : i32
      %dma_wait3A_47 = tpu.memref_slice %arg7[%add3A_42, %dma_wait3A_46] : memref<16384x64xf32, #tpu.memory_space<hbm>> -> memref<256x64xf32, #tpu.memory_space<hbm>>
      %dma_wait3A_48 = arith.constant 0 : i32
      %dma_wait3A_49 = tpu.memref_slice %arg7[%add3A_42, %dma_wait3A_48] : memref<16384x64xf32, #tpu.memory_space<hbm>> -> memref<256x64xf32, #tpu.memory_space<hbm>>
      tpu.wait_dma2 semaphore(%run_scoped3A : memref<!tpu.dma_semaphore, #tpu.memory_space<semaphore_mem>>) src(%arg11 : memref<256x64xf32, #tpu.memory_space<vmem>>) dst(%dma_wait3A_49 : memref<256x64xf32, #tpu.memory_space<hbm>>)
      tpu.yield
    }) : () -> ()
    return
  }
}

#map = affine_map<(d0, d1) -> (0)>
module attributes {stable_mosaic.version = 14 : i64} {
  func.func @k(%arg0: i32, %arg1: i32, %arg2: memref<16384xi32, #tpu.memory_space<hbm>>, %arg3: memref<1000000xf32, #tpu.memory_space<hbm>>, %arg4: memref<16384xf32, #tpu.memory_space<hbm>>, %arg5: memref<512xi32, #tpu.memory_space<vmem>>, %arg6: memref<512xf32, #tpu.memory_space<vmem>>, %arg7: memref<!tpu.dma_semaphore, #tpu.memory_space<semaphore_mem>>) attributes {dimension_semantics = [#tpu.dimension_semantics<core_parallel>, #tpu.dimension_semantics<subcore_parallel>], iteration_bounds = array<i64: 2, 16>, scalar_prefetch = 0 : i64, scratch_operands = 3 : i64, tpu.core_type = #tpu.core_type<sc_vector_subcore>, window_params = [{transform_indices = #map}, {transform_indices = #map}, {transform_indices = #map}]} {
    %mul3A = arith.constant 2 : i32
    %mul3A_0 = arith.muli %arg1, %mul3A : i32
    %add3A = arith.addi %mul3A_0, %arg0 : i32
    %mul3A_1 = arith.constant 512 : i32
    %mul3A_2 = arith.muli %add3A, %mul3A_1 : i32
    "tpu.region"() ({
      %run_scoped3A = tpu.sem_alloc : memref<!tpu.dma_semaphore, #tpu.memory_space<semaphore_mem>>
      %dma_start3A_5 = tpu.memref_slice %arg2[%mul3A_2] : memref<16384xi32, #tpu.memory_space<hbm>> -> memref<512xi32, #tpu.memory_space<hbm>>
      %dma_start3A_6 = tpu.memref_slice %arg2[%mul3A_2] : memref<16384xi32, #tpu.memory_space<hbm>> -> memref<512xi32, #tpu.memory_space<hbm>>
      tpu.enqueue_dma source(%dma_start3A_6 : memref<512xi32, #tpu.memory_space<hbm>>) target(%arg5 : memref<512xi32, #tpu.memory_space<vmem>>) target_semaphore(%run_scoped3A : memref<!tpu.dma_semaphore, #tpu.memory_space<semaphore_mem>>)
      %dma_wait3A_7 = tpu.memref_slice %arg2[%mul3A_2] : memref<16384xi32, #tpu.memory_space<hbm>> -> memref<512xi32, #tpu.memory_space<hbm>>
      %dma_wait3A_8 = tpu.memref_slice %arg2[%mul3A_2] : memref<16384xi32, #tpu.memory_space<hbm>> -> memref<512xi32, #tpu.memory_space<hbm>>
      tpu.wait_dma2 semaphore(%run_scoped3A : memref<!tpu.dma_semaphore, #tpu.memory_space<semaphore_mem>>) src(%dma_wait3A_8 : memref<512xi32, #tpu.memory_space<hbm>>) dst(%arg5 : memref<512xi32, #tpu.memory_space<vmem>>)
      tpu.yield
    }) : () -> ()
    %dma_start3A = arith.constant 0 : i32
    %dma_start3A_3 = tpu.memref_slice %arg3[%dma_start3A] : memref<1000000xf32, #tpu.memory_space<hbm>> -> memref<1000000xf32, #tpu.memory_space<hbm>>
    tpu.enqueue_indirect_dma source(%dma_start3A_3 : memref<1000000xf32, #tpu.memory_space<hbm>>) target(%arg6 : memref<512xf32, #tpu.memory_space<vmem>>) offsets(%arg5 : memref<512xi32, #tpu.memory_space<vmem>>) semaphore(%arg7 : memref<!tpu.dma_semaphore, #tpu.memory_space<semaphore_mem>>)
    %dma_wait3A = arith.constant 0 : i32
    %dma_wait3A_4 = tpu.memref_slice %arg3[%dma_wait3A] : memref<1000000xf32, #tpu.memory_space<hbm>> -> memref<1000000xf32, #tpu.memory_space<hbm>>
    tpu.wait_indirect_dma semaphore(%arg7 : memref<!tpu.dma_semaphore, #tpu.memory_space<semaphore_mem>>) src(%dma_wait3A_4 : memref<1000000xf32, #tpu.memory_space<hbm>>) dst(%arg6 : memref<512xf32, #tpu.memory_space<vmem>>)
    "tpu.region"() ({
      %run_scoped3A = tpu.sem_alloc : memref<!tpu.dma_semaphore, #tpu.memory_space<semaphore_mem>>
      %dma_start3A_5 = tpu.memref_slice %arg4[%mul3A_2] : memref<16384xf32, #tpu.memory_space<hbm>> -> memref<512xf32, #tpu.memory_space<hbm>>
      %dma_start3A_6 = tpu.memref_slice %arg4[%mul3A_2] : memref<16384xf32, #tpu.memory_space<hbm>> -> memref<512xf32, #tpu.memory_space<hbm>>
      tpu.enqueue_dma source(%arg6 : memref<512xf32, #tpu.memory_space<vmem>>) target(%dma_start3A_6 : memref<512xf32, #tpu.memory_space<hbm>>) target_semaphore(%run_scoped3A : memref<!tpu.dma_semaphore, #tpu.memory_space<semaphore_mem>>)
      %dma_wait3A_7 = tpu.memref_slice %arg4[%mul3A_2] : memref<16384xf32, #tpu.memory_space<hbm>> -> memref<512xf32, #tpu.memory_space<hbm>>
      %dma_wait3A_8 = tpu.memref_slice %arg4[%mul3A_2] : memref<16384xf32, #tpu.memory_space<hbm>> -> memref<512xf32, #tpu.memory_space<hbm>>
      tpu.wait_dma2 semaphore(%run_scoped3A : memref<!tpu.dma_semaphore, #tpu.memory_space<semaphore_mem>>) src(%arg6 : memref<512xf32, #tpu.memory_space<vmem>>) dst(%dma_wait3A_8 : memref<512xf32, #tpu.memory_space<hbm>>)
      tpu.yield
    }) : () -> ()
    return
  }
}

module attributes {stable_mosaic.version = 14 : i64} {
  func.func @_dot_body(%arg0: memref<16384xf32, #tpu.memory_space<vmem>>, %arg1: memref<16384x64xf32, #tpu.memory_space<vmem>>, %arg2: memref<16384x64xf32, #tpu.memory_space<vmem>>, %arg3: memref<16384xf32, #tpu.memory_space<vmem>>) attributes {dimension_semantics = [], scalar_prefetch = 0 : i64, scratch_operands = 0 : i64, tpu.core_type = #tpu.core_type<tc>} {
    %get3A = arith.constant 0 : index
    %get3A_0 = vector.load %arg0[%get3A] : memref<16384xf32, #tpu.memory_space<vmem>>, vector<16384xf32>
    %get3A_1 = arith.constant 0 : index
    %get3A_2 = arith.constant 0 : index
    %get3A_3 = vector.load %arg1[%get3A_1, %get3A_2] : memref<16384x64xf32, #tpu.memory_space<vmem>>, vector<16384x64xf32>
    %get3A_4 = arith.constant 0 : index
    %get3A_5 = arith.constant 0 : index
    %get3A_6 = vector.load %arg2[%get3A_4, %get3A_5] : memref<16384x64xf32, #tpu.memory_space<vmem>>, vector<16384x64xf32>
    %mul3A = arith.mulf %get3A_3, %get3A_6 : vector<16384x64xf32>
    %reduce_sum3A = arith.constant dense<0.000000e+00> : vector<16384xf32>
    %reduce_sum3A_7 = vector.multi_reduction <add>, %mul3A, %reduce_sum3A [1] : vector<16384x64xf32> to vector<16384xf32>
    %add3A = arith.addf %get3A_0, %reduce_sum3A_7 : vector<16384xf32>
    %swap3A = arith.constant 0 : index
    %swap3A_8 = vector.load %arg3[%swap3A] : memref<16384xf32, #tpu.memory_space<vmem>>, vector<16384xf32>
    tpu.vector_store %arg3[%swap3A], %add3A {strides = array<i32>} : memref<16384xf32, #tpu.memory_space<vmem>>, vector<16384xf32>,
    return
  }
}

</mosaic_0001>

<sc_bundles>
// kernel: kernel.5.cloned.1.call-start
scs
__scs_entry_jumppad:
0x0: {  	(pc) =	sbr.rel $0x88, $3  }
0x1: {  	(tag) =	ssettag $0x0;
	lr =	simm.s32 $0x1  }
0x2: {  	[smem:$0x3F9C] =	sst lr;
	_ =	strace $0xD0000000  }
0x3: {  	_ = 	snop  }
0x4: {  	_ = 	snop  }
0x5: {  	_ = 	snop  }
0x6: {  	_ = 	snop  }
0x7: {  	_ = 	snop  }
__scs_overlays_trampoline_lowered:
0x8: {  	[smem:$0x3FAB] =	sst s0  }
0x9: {  	[smem:$0x3FAC] =	sst s1  }
0xa: {  	[smem:$0x3FAD] =	sst s2  }
0xb: {  	[smem:$0x3FAE] =	sst s3  }
0xc: {  	[smem:$0x3FAF] =	sst s4  }
0xd: {  	[smem:$0x3FB0] =	sst s5  }
0xe: {  	[smem:$0x3FB1] =	sst s6  }
0xf: {  	[smem:$0x3FB2] =	sst s7  }
0x10: {  	[smem:$0x3FB3] =	sst s8  }
0x11: {  	[smem:$0x3FB4] =	sst s9;
	s0 =	simm.s32 @!p0 $0x0  }
0x12: {  	s1 =	sld [smem:$0x3F9A];
	s0 =	simm.s32 @p0 $0x1  }
0x13: {  	[smem:$0x3FB5] =	sst s0;
	s0 =	simm.s32 @!p1 $0x0  }
0x14: {  	s2 =	sld [smem:$0x3F99];
	s0 =	simm.s32 @p1 $0x1  }
0x15: {  	[smem:$0x3FB6] =	sst s0;
	s0 =	simm.s32 @!p2 $0x0  }
0x16: {  	s3 =	sld [smem:$0x3FDB];
	s0 =	simm.s32 @p2 $0x1  }
0x17: {  	s4 =	simm.s32 $0x1BF5;
	[smem:$0x3FB8] =	sst s0  }
0x18: {  	s0 =	sld [smem:$0x3F9B];
	_ =	swait.ge [sflag:s4], $0x0  }
0x19: {  	s7 =	sld [smem:$0x3F9C]  }
0x1a: {  	s8 =	sadd.s32 $0xFFFFE003, lr  }
0x1b: {  	s9 =	sadd.s32 $0xFFFFFEF7, lr;
	s5 =	simm.s32 $0xFFFFFFFF;
	p2 =	slt.u32 s8, $0xFFFFF086  }
0x1c: {  	p1 =	slt.u32 s9, $0xF7A;
	s5 =	simm.s32 @!p2 $0x0  }
0x1d: {  	s5 =	simm.s32 @p1 $0x1;
	p0 =	seq.s32 s7, s2  }
0x1e: {  	s7 =	smul.u32 @!p0 $0xF7A, s2;
	p2 =	seq.s32 @!p0 s5, $0x0  }
0x1f: {  	s9 =	smul.u32 $0xF7A, s1;
	s8 =	simm.s32 @!p0 $0x1BF5;
	p2 =	por !p2, p0  }
0x20: {  	[sflag:s8] =	ssyncset.s32 @!p0 $0xFFFFF086;
	s6 =	sadd.s32 @!p0 s3, s7;
	s7 =	simm.s32 @!p0 $0x108  }
0x21: {  	s3 =	sadd.s32 s3, s9;
	s6 =	sadd.s32 @!p0 $0x88, s6;
	s7 =	simm.s32 @p2 $0x1082  }
0x22: {  	[simem:s7], [sflag:s8] =	dma.local @!p0 [hbm:s6], $0xF7A  }
0x23: {  	s9 =	sor.u32 $0xD0000000, s2;
	s6 =	simm.s32 $0x108;
	_ =	swait.ge @!p0 [sflag:s8], $0x0  }
0x24: {  	s3 =	sadd.s32 $0x88, s3;
	s6 =	simm.s32 @!p1 $0x1082;
	[sflag:s4] =	ssyncset.s32 $0xFFFFF086  }
0x25: {  	[simem:s6], [sflag:s4] =	dma.local [hbm:s3], $0xF7A  }
0x26: {  	[smem:$0x3F9C] =	sst s1;
	(tag) =	ssettag s2;
	_ =	strace s9  }
0x27: {  	s1 =	sld [smem:$0x3FAC]  }
0x28: {  	s2 =	sld [smem:$0x3FAD]  }
0x29: {  	s4 =	sld [smem:$0x3FAF]  }
0x2a: {  	p0 =	seq.s32 s5, $0x0;
	s5 =	sld [smem:$0x3FB0]  }
0x2b: {  	s6 =	sld [smem:$0x3FB1]  }
0x2c: {  	s7 =	sld [smem:$0x3FB2]  }
0x2d: {  	s3 =	simm.s32 $0x108;
	s8 =	sld [smem:$0x3FB3]  }
0x2e: {  	s3 =	simm.s32 @!p0 $0x1082;
	s9 =	sld [smem:$0x3FB4]  }
0x2f: {  	lr =	sadd.s32 s0, s3;
	s0 =	sld [smem:$0x3FAB]  }
0x30: {  	s3 =	sld [smem:$0x3FAE]  }
0x31: {  	[smem:$0x3FB7] =	sst s10  }
0x32: {  	s10 =	sld [smem:$0x3FB5];
	_ =	sdelay $0x3  }
0x33: {  	p0 =	seq.s32 s10, $0x1;
	s10 =	sld [smem:$0x3FB7];
	_ =	sdelay $0x3  }
0x34: {  	[smem:$0x3FB7] =	sst s10  }
0x35: {  	s10 =	sld [smem:$0x3FB6];
	_ =	sdelay $0x3  }
0x36: {  	p1 =	seq.s32 s10, $0x1;
	s10 =	sld [smem:$0x3FB7];
	_ =	sdelay $0x3  }
0x37: {  	[smem:$0x3FB7] =	sst s10  }
0x38: {  	s10 =	sld [smem:$0x3FB8]  }
0x39: {  	_ = 	snop;
	(pc) =	sbr.ind lr, $3  }
0x3a: {  	_ = 	snop  }
0x3b: {  	_ = 	snop  }
0x3c: {  	p2 =	seq.s32 s10, $0x1;
	s10 =	sld [smem:$0x3FB7]  }
0x3d: {  	_ =	shalt  }
0x3e: {  	_ =	shalt  }
0x3f: {  	_ =	shalt  }
0x40: {  	_ =	shalt  }
0x41: {  	_ =	shalt  }
0x42: {  	_ =	shalt  }
0x43: {  	_ =	shalt  }
0x44: {  	_ =	shalt  }
0x45: {  	_ =	shalt  }
0x46: {  	_ =	shalt  }
0x47: {  	_ =	shalt  }
0x48: {  	_ =	shalt  }
0x49: {  	_ =	shalt  }
0x4a: {  	_ =	shalt  }
0x4b: {  	_ =	shalt  }
0x4c: {  	_ =	shalt  }
0x4d: {  	_ =	shalt  }
0x4e: {  	_ =	shalt  }
0x4f: {  	_ =	shalt  }
0x50: {  	_ =	shalt  }
0x51: {  	_ =	shalt  }
0x52: {  	_ =	shalt  }
0x53: {  	_ =	shalt  }
0x54: {  	_ =	shalt  }
0x55: {  	_ =	shalt  }
0x56: {  	_ =	shalt  }
0x57: {  	_ =	shalt  }
0x58: {  	_ =	shalt  }
0x59: {  	_ =	shalt  }
0x5a: {  	_ =	shalt  }
0x5b: {  	_ =	shalt  }
0x5c: {  	_ =	shalt  }
0x5d: {  	_ =	shalt  }
0x5e: {  	_ =	shalt  }
0x5f: {  	_ =	shalt  }
0x60: {  	_ =	shalt  }
0x61: {  	_ =	shalt  }
0x62: {  	_ =	shalt  }
0x63: {  	_ =	shalt  }
0x64: {  	_ =	shalt  }
0x65: {  	_ =	shalt  }
0x66: {  	_ =	shalt  }
0x67: {  	_ =	shalt  }
0x68: {  	_ =	shalt  }
0x69: {  	_ =	shalt  }
0x6a: {  	_ =	shalt  }
0x6b: {  	_ =	shalt  }
0x6c: {  	_ =	shalt  }
0x6d: {  	_ =	shalt  }
0x6e: {  	_ =	shalt  }
0x6f: {  	_ =	shalt  }
0x70: {  	_ =	shalt  }
0x71: {  	_ =	shalt  }
0x72: {  	_ =	shalt  }
0x73: {  	_ =	shalt  }
0x74: {  	_ =	shalt  }
0x75: {  	_ =	shalt  }
0x76: {  	_ =	shalt  }
0x77: {  	_ =	shalt  }
0x78: {  	_ =	shalt  }
0x79: {  	_ =	shalt  }
0x7a: {  	_ =	shalt  }
0x7b: {  	_ =	shalt  }
0x7c: {  	_ =	shalt  }
0x7d: {  	_ =	shalt  }
0x7e: {  	_ =	shalt  }
0x7f: {  	_ =	shalt  }
0x80: {  	_ =	shalt  }
0x81: {  	_ =	shalt  }
0x82: {  	_ =	shalt  }
0x83: {  	_ =	shalt  }
0x84: {  	_ =	shalt  }
0x85: {  	_ =	shalt  }
0x86: {  	_ =	shalt  }
0x87: {  	_ =	shalt  }
.Lfunc_end0:
.L_simem_size_0:
called_computation_lowered:
.L_overlay_start_0:
0x88: {  	s2 =	sld [smem:$0x3FD9]  }
0x89: {  	s3 =	sld [smem:$0x3FFE];
	_ =	sdelay $0x1  }
0x8a: {  	s1 =	srdreg.scid  }
0x8b: {  	s0 =	sand.u32 $0x1, s1  }
0x8c: {  	s17 =	sshll.u32 s0, $0xA;
	s2 =	sadd.s32 s3, s2  }
0x8d: {  	s2 =	sadd.s32 s2, s17  }
0x8e: {  	[smem:$0x3FC3] =	sst s2  }
0x8f: {  	_ = 	snop  }
0x90: {  	s2 =	sld [smem:$0x3FC9]  }
0x91: {  	s18 =	sld [smem:$0x3FC8];
	(tm) =	ssettm $0x1  }
0x92: {  	s4 =	sld [smem:$0x3FFB];
	_ =	sdelay $0x3  }
0x93: {  	_ =	strace s4  }
0x94: {  	s4 =	sld [smem:$0x3FFC];
	_ =	sdelay $0x3  }
0x95: {  	_ =	strace s4  }
0x96: {  	s4 =	sld [smem:$0x3FFD];
	_ =	sdelay $0x3  }
0x97: {  	_ =	strace s4  }
0x98: {  	_ =	strace $0x8FFFFFFF  }
0x99: {  	s19 =	sld [smem:$0x3FDB];
	_ =	sdelay $0x1  }
0x9a: {  	s5 =	simm.s32 $_scs_section_size  }
0x9b: {  	s6 =	simm.s32 $_size__tile_overlayer_lowered;
	s7 =	simm.s32 $_tile_overlayer_lowered  }
0x9c: {  	s22 =	simm.s32 $0x1BFF;
	s21 =	sshll.u32 s7, $0x1;
	s4 =	sadd.s32 s5, s19  }
0x9d: {  	s8 =	simm.s32 $0x0;
	s20 =	sshll.u32 s6, $0x1;
	s6 =	sadd.s32 s21, s4  }
0x9e: {  	[timem:s8], [sflag:s22] =	dma.local [hbm:s6], s20  }
0x9f: {  	_ =	swait.ge [sflag:s22], s20  }
0xa0: {  	s5 =	ssub.s32 $0x0, s20;
	[sflag:s22] =	ssyncset.done $0x0  }
0xa1: {  	[sflag:s22] =	ssyncadd.s32 s5;
	_ =	sdelay $0x1  }
0xa2: {  	s23 =	simm.s32 $0x1B8B  }
0xa3: {  	_ =	swait.ge [sflag:s23], $0x1  }
0xa4: {  	[sflag:s23] =	ssyncset.done $0x0  }
0xa5: {  	s25 =	simm.s32 $0x1B8E;
	s24 =	sld [smem:$0x3FFE];
	[sflag:s23] =	ssyncadd.s32 $0xFFFFFFFF  }
0xa6: {  	s26 =	simm.s32 $execute0_lowered;
	[smem:$0x3FD2] =	sst s25  }
0xa7: {  	s6 =	sshll.u32 s26, $0x1;
	_ =	strace $0x80000046;
	[dreg:$0x1] =	wrdreg $0xFFFFFFFF  }
0xa8: {  	s28 =	simm.s32 $_size_execute0_lowered;
	s4 =	sadd.s32 s4, s6;
	[dreg:$0x0] =	wrdreg $0x0  }
0xa9: {  	s6 =	sshll.u32 s28, $0x1;
	[dreg:$0x2] =	wrdreg s4  }
0xaa: {  	[dreg:$0x3] =	wrdreg s6  }
0xab: {  	[dreg:$0x4] =	wrdreg $0xC0  }
0xac: {  	_ =	task [dreg:s8], $0x5FFFF  }
0xad: {  	[dreg:$0x1] =	wrdreg $0xFFFFFFFF  }
0xae: {  	[dreg:$0x0] =	wrdreg $0x60  }
0xaf: {  	[dreg:$0x2] =	wrdreg s2  }
0xb0: {  	[dreg:$0x3] =	wrdreg s18  }
0xb1: {  	[dreg:$0x4] =	wrdreg s24  }
0xb2: {  	[dreg:$0x5] =	wrdreg $0x9  }
0xb3: {  	_ =	task.clear_ibuf [dreg:s8], $0x6FFFF;
	_ =	strace $0x90000046  }
0xb4: {  	s29 =	simm.s32 $0x9;
	_ =	strace $0x80000048  }
0xb5: {  	_ =	swait.ge [sflag:s29], $0x1  }
0xb6: {  	[sflag:s29] =	ssyncadd.s32 $0xFFFFFFFF  }
0xb7: {  	_ =	strace $0x90000048  }
0xb8: {  	_ =	sfence  }
0xb9: {  	s30 =	sld [smem:$0x0];
	_ =	sdelay $0x2  }
0xba: {  	s31 =	sshll.u32 s1, $0xD;
	s1 =	sshrl.u32 s1, $0x2  }
0xbb: {  	s3 =	sand.u32 $0x4000, s31;
	s1 =	sadd.s32 s1, s30  }
0xbc: {  	s0 =	sor.u32 s3, s0;
	s1 =	sshll.u32 s1, $0x11  }
0xbd: {  	s0 =	sor.u32 s1, s0  }
0xbe: {  	s0 =	sadd.s32 $0x8F2B, s0  }
0xbf: {  	[sflag:s0] =	ssyncadd.remote.s32 $0x1  }
0xc0: {  	_ =	sfence.sel $0xFFFF  }
0xc1: {  	[dreg:$0x0] =	wrdreg $0xFFFFFFFF;
	(pc) =	sbr.abs _section_cstart, $3  }
0xc2: {  	[dreg:$0x1] =	wrdreg $0xFFFFFFFF  }
0xc3: {  	_ =	task.clear_ibuf [dreg:s8], $0x2FFFF;
	_ =	strace $0x9FFFFFFF  }
0xc4: {  	(tm) =	ssettm $0x7FFFFFFF  }
0xc5: {  	_ =	shalt  }
tec
execute0_lowered:
.L_overlay_start_1:
0x0: {  	(tag) =	ssettag $0x1  }
0x1: {  	s0 =	rddreg [dreg:$0x0]  }
0x2: {  	s2 =	rddreg [dreg:$0x1]  }
0x3: {  	s5 =	rddreg [dreg:$0x2];
	s6 =	srdreg.scid  }
0x4: {  	s1 =	simm.s32 $0x0;
	s8 =	stileid.u32;
	s6 =	sand.u32 $0x1, s6  }
0x5: {  	s8 =	sshll.u32 s8, $0xA;
	s7 =	ssub.s32 $0x2, s6;
	s6 =	sshll.u32 s6, $0x9  }
0x6: {  	[smem:$0x7FF] =	sst s1;
	s3 =	sadd.s32 $0x1800, s5;
	s6 =	sor.u32 s6, s8  }
0x7: {  	s4 =	sadd.s32 $0xF43C00, s5;
	s9 =	sadd.s32 $0x1EC6000, s5;
	s8 =	sshrl.u32 s6, $0x3  }
0x8: {  	s5 =	sadd.s32 $0x1E86000, s5;
	_ =	strace $0x80000047;
	s0 =	sadd.s32 s0, s8  }
0x9: {  	s26 =	sshll.u32 s6, $0x4;
	s25 =	sadd.s32 s2, s8;
	[dreg:$0x16] =	wrdreg s0  }
0xa: {  	s10 =	sshrl.u32 s7, $0x1;
	s28 =	sadd.s32 s9, s26;
	[dreg:$0x17] =	wrdreg s25  }
0xb: {  	s7 =	ssub.s32 s7, s10;
	s29 =	sadd.s32 s5, s26;
	[dreg:$0x18] =	wrdreg s28  }
0xc: {  	s31 =	smax.u32 s7, $0x1;
	[dreg:$0x19] =	wrdreg s29;
	s0 =	sor.u32 $0x1000, s26  }
0xd: {  	[dreg:$0x1c] =	wrdreg s31;
	s30 =	sadd.s32 s9, s0  }
0xe: {  	s0 =	sadd.s32 s5, s0;
	[dreg:$0x1a] =	wrdreg s30  }
0xf: {  	s2 =	simm.s32 $0x0;
	s5 =	simm.s32 $0x3;
	[dreg:$0x1b] =	wrdreg s0  }
.LBB2_1:
0x10: {  	[dreg:$0x1d] =	wrdreg s2  }
0x11: {  	s0 =	rddreg [dreg:$0x16]  }
0x12: {  	[tilespmem:s1], [sflag:$0x3] =	stream.linear.gather [hbm4b:s0+s1], $0x200, $0x38;
	[tilespmem:$0x10500] =	vst v63  }
0x13: {  	_ =	swait.ge [sflag:s5], $0x200  }
0x14: {  	[sflag:s5] =	ssyncset.done $0x0  }
0x15: {  	s12 =	simm.s32 $0x280;
	s13 =	rddreg [dreg:$0x17];
	[sflag:s5] =	ssyncadd.s32 $0xFFFFFE00  }
0x16: {  	[tilespmem:s12], [sflag:$0x3] =	stream.linear.gather [hbm4b:s13+s1], $0x200, $0x38;
	[tilespmem:$0x10500] =	vst v63  }
0x17: {  	_ =	swait.ge [sflag:s5], $0x200  }
0x18: {  	[sflag:s5] =	ssyncset.done $0x0  }
0x19: {  	[sflag:s5] =	ssyncadd.s32 $0xFFFFFE00  }
0x1a: {  	v0 =	vld [tilespmem:s1+$0x0]  }
0x1b: {  	v2 =	vld [tilespmem:s12+$0x0];
	_ =	sdelay $0x3  }
0x1c: {  	v1 =	vshll.u32 v0, $0x4  }
0x1d: {  	v63 =	vshll.u32 v2, $0x4;
	(v2sf) =	vpush v1, $0x0  }
0x1e: {  	(v2sf) =	vpush v63, $0x0;
	_ =	sdelay $0x2  }
0x1f: {  	(v2sf) =	vpush v1, $0x1  }
0x20: {  	(v2sf) =	vpush v63, $0x1;
	_ =	sdelay $0x1  }
0x21: {  	(v2sf) =	vpush v1, $0x2;
	_ =	sdelay $0x1  }
0x22: {  	(v2sf) =	vpush v63, $0x2;
	_ =	sdelay $0x1  }
0x23: {  	s19 =	simm.s32 $0x2000;
	(v2sf) =	vpush v1, $0x3  }
0x24: {  	s18 =	simm.s32 $0x0;
	s6 =	simm.s32 $0x8500;
	s2 =	simm.s32 $0x980  }
0x25: {  	s7 =	simm.s32 $0x500;
	s9 =	simm.s32 $0x700;
	s10 =	simm.s32 $0x680  }
0x26: {  	s16 =	simm.s32 $0x580;
	s21 =	simm.s32 $0x8580;
	s23 =	simm.s32 $0x600  }
0x27: {  	s26 =	simm.s32 $0x8600;
	s28 =	simm.s32 $0xB00;
	s8 =	spop (v2sf);
	(v2sf) =	vpush v63, $0x3  }
0x28: {  	s0 =	simm.s32 $0x8A00;
	s8 =	sand.u32 $0x1FFFFFF0, s8;
	s11 =	spop (v2sf)  }
0x29: {  	s5 =	simm.s32 $0x780;
	(v2sf) =	vpush v1, $0x4;
	s8 =	sadd.s32 s3, s8;
	s14 =	sand.u32 $0x1FFFFFF0, s11  }
0x2a: {  	(v2sf) =	vpush v63, $0x4;
	[tilespmem:s7], [sflag:$0x1] =	stream.linear.gather [hbm4b:s8+s1], $0x80, $0x38;
	[tilespmem:$0x10500] =	vst v63  }
0x2b: {  	s15 =	spop (v2sf);
	s7 =	simm.s32 $0x8680;
	s8 =	sadd.s32 s4, s14  }
0x2c: {  	s11 =	sand.u32 $0x1FFFFFF0, s15;
	s12 =	spop (v2sf);
	s14 =	simm.s32 $0x8700  }
0x2d: {  	(v2sf) =	vpush v1, $0x5;
	[tilespmem:s6], [sflag:$0x2] =	stream.linear.gather [hbm4b:s8+s1], $0x80, $0x38;
	[tilespmem:$0x10500] =	vst v63  }
0x2e: {  	s17 =	sadd.s32 s3, s11;
	s20 =	sand.u32 $0x1FFFFFF0, s12;
	s22 =	spop (v2sf);
	(v2sf) =	vpush v63, $0x5  }
0x2f: {  	[tilespmem:s16], [sflag:$0x1] =	stream.linear.gather [hbm4b:s17+s1], $0x80, $0x38;
	[tilespmem:$0x10500] =	vst v63  }
0x30: {  	s11 =	sadd.s32 s4, s20;
	(v2sf) =	vpush v1, $0x6;
	s8 =	sand.u32 $0x1FFFFFF0, s22;
	s24 =	spop (v2sf)  }
0x31: {  	[tilespmem:s21], [sflag:$0x2] =	stream.linear.gather [hbm4b:s11+s1], $0x80, $0x38;
	[tilespmem:$0x10500] =	vst v63  }
0x32: {  	s8 =	sadd.s32 s3, s8;
	s25 =	spop (v2sf);
	s11 =	sand.u32 $0x1FFFFFF0, s24  }
0x33: {  	[tilespmem:s23], [sflag:$0x1] =	stream.linear.gather [hbm4b:s8+s1], $0x80, $0x38;
	[tilespmem:$0x10500] =	vst v63  }
0x34: {  	s12 =	simm.s32 $0x8B00;
	(v2sf) =	vpush v63, $0x6;
	s30 =	sand.u32 $0x1FFFFFF0, s25;
	s29 =	sadd.s32 s4, s11  }
0x35: {  	[tilespmem:s26], [sflag:$0x2] =	stream.linear.gather [hbm4b:s29+s1], $0x80, $0x38;
	[tilespmem:$0x10500] =	vst v63  }
0x36: {  	s13 =	sadd.s32 s3, s30;
	s21 =	simm.s32 $0x8780;
	s31 =	spop (v2sf)  }
0x37: {  	[tilespmem:s10], [sflag:$0x1] =	stream.linear.gather [hbm4b:s13+s1], $0x80, $0x38;
	[tilespmem:$0x10500] =	vst v63  }
0x38: {  	s23 =	simm.s32 $0x800;
	(v2sf) =	vpush v1, $0x7;
	s6 =	sand.u32 $0x1FFFFFF0, s31;
	s15 =	spop (v2sf)  }
0x39: {  	s6 =	sadd.s32 s4, s6;
	s10 =	sand.u32 $0x1FFFFFF0, s15;
	s16 =	spop (v2sf)  }
0x3a: {  	(v2sf) =	vpush v63, $0x7;
	[tilespmem:s7], [sflag:$0x2] =	stream.linear.gather [hbm4b:s6+s1], $0x80, $0x38;
	[tilespmem:$0x10500] =	vst v63  }
0x3b: {  	s13 =	simm.s32 $0xB80;
	(v2sf) =	vpush v1, $0x8;
	s17 =	sadd.s32 s3, s10;
	s20 =	sand.u32 $0x1FFFFFF0, s16  }
0x3c: {  	s22 =	spop (v2sf);
	s10 =	simm.s32 $0x8B80;
	s7 =	sadd.s32 s4, s20  }
0x3d: {  	(v2sf) =	vpush v63, $0x8;
	s24 =	sand.u32 $0x1FFFFFF0, s22;
	s25 =	spop (v2sf);
	s22 =	simm.s32 $0x8880  }
0x3e: {  	[tilespmem:s9], [sflag:$0x1] =	stream.linear.gather [hbm4b:s17+s1], $0x80, $0x38;
	[tilespmem:$0x10500] =	vst v63  }
0x3f: {  	(v2sf) =	vpush v1, $0x9;
	s8 =	sadd.s32 s3, s24;
	s9 =	sand.u32 $0x1FFFFFF0, s25;
	s26 =	spop (v2sf)  }
0x40: {  	[tilespmem:s14], [sflag:$0x2] =	stream.linear.gather [hbm4b:s7+s1], $0x80, $0x38;
	[tilespmem:$0x10500] =	vst v63  }
0x41: {  	(v2sf) =	vpush v63, $0x9;
	s17 =	simm.s32 $0x880;
	s24 =	simm.s32 $0x900;
	s29 =	sadd.s32 s4, s9  }
0x42: {  	[tilespmem:s5], [sflag:$0x1] =	stream.linear.gather [hbm4b:s8+s1], $0x80, $0x38;
	[tilespmem:$0x10500] =	vst v63  }
0x43: {  	s30 =	sand.u32 $0x1FFFFFF0, s26;
	s31 =	spop (v2sf);
	(v2sf) =	vpush v1, $0xA;
	s9 =	simm.s32 $0x8980  }
0x44: {  	[tilespmem:s21], [sflag:$0x2] =	stream.linear.gather [hbm4b:s29+s1], $0x80, $0x38;
	[tilespmem:$0x10500] =	vst v63  }
0x45: {  	s11 =	sadd.s32 s3, s30;
	s14 =	simm.s32 $0x8800;
	(v2sf) =	vpush v63, $0xA;
	s6 =	sand.u32 $0x1FFFFFF0, s31  }
0x46: {  	[tilespmem:s23], [sflag:$0x1] =	stream.linear.gather [hbm4b:s11+s1], $0x80, $0x38;
	[tilespmem:$0x10500] =	vst v63  }
0x47: {  	s6 =	sadd.s32 s4, s6;
	s29 =	simm.s32 $0x8900;
	s15 =	spop (v2sf);
	(v2sf) =	vpush v1, $0xB  }
0x48: {  	[tilespmem:s14], [sflag:$0x2] =	stream.linear.gather [hbm4b:s6+s1], $0x80, $0x38;
	[tilespmem:$0x10500] =	vst v63  }
0x49: {  	s14 =	simm.s32 $0xA00;
	s8 =	sand.u32 $0x1FFFFFF0, s15;
	s16 =	spop (v2sf)  }
0x4a: {  	s20 =	sadd.s32 s3, s8;
	s21 =	sand.u32 $0x1FFFFFF0, s16;
	s23 =	spop (v2sf)  }
0x4b: {  	(v2sf) =	vpush v63, $0xB;
	[tilespmem:s17], [sflag:$0x1] =	stream.linear.gather [hbm4b:s20+s1], $0x80, $0x38;
	[tilespmem:$0x10500] =	vst v63  }
0x4c: {  	s8 =	sadd.s32 s4, s21;
	s7 =	sand.u32 $0x1FFFFFF0, s23;
	s25 =	spop (v2sf)  }
0x4d: {  	[tilespmem:s22], [sflag:$0x2] =	stream.linear.gather [hbm4b:s8+s1], $0x80, $0x38;
	[tilespmem:$0x10500] =	vst v63  }
0x4e: {  	(v2sf) =	vpush v1, $0xC;
	s7 =	sadd.s32 s3, s7;
	s26 =	spop (v2sf);
	s8 =	sand.u32 $0x1FFFFFF0, s25  }
0x4f: {  	(v2sf) =	vpush v63, $0xC;
	[tilespmem:s24], [sflag:$0x1] =	stream.linear.gather [hbm4b:s7+s1], $0x80, $0x38;
	[tilespmem:$0x10500] =	vst v63  }
0x50: {  	s31 =	sand.u32 $0x1FFFFFF0, s26;
	s11 =	spop (v2sf);
	s30 =	sadd.s32 s4, s8  }
0x51: {  	[tilespmem:s29], [sflag:$0x2] =	stream.linear.gather [hbm4b:s30+s1], $0x80, $0x38;
	[tilespmem:$0x10500] =	vst v63  }
0x52: {  	s8 =	sadd.s32 s3, s31;
	s15 =	spop (v2sf);
	s7 =	sand.u32 $0x1FFFFFF0, s11  }
0x53: {  	[tilespmem:s2], [sflag:$0x1] =	stream.linear.gather [hbm4b:s8+s1], $0x80, $0x38;
	[tilespmem:$0x10500] =	vst v63  }
0x54: {  	s16 =	spop (v2sf);
	s7 =	sadd.s32 s4, s7;
	s8 =	sand.u32 $0x1FFFFFF0, s15  }
0x55: {  	[tilespmem:s9], [sflag:$0x2] =	stream.linear.gather [hbm4b:s7+s1], $0x80, $0x38;
	[tilespmem:$0x10500] =	vst v63  }
0x56: {  	s20 =	sand.u32 $0x1FFFFFF0, s16;
	s17 =	sadd.s32 s3, s8;
	s21 =	spop (v2sf)  }
0x57: {  	[tilespmem:s14], [sflag:$0x1] =	stream.linear.gather [hbm4b:s17+s1], $0x80, $0x38;
	[tilespmem:$0x10500] =	vst v63  }
0x58: {  	s5 =	simm.s32 $0x8A80;
	s22 =	sadd.s32 s4, s20;
	s23 =	sand.u32 $0x1FFFFFF0, s21  }
0x59: {  	[tilespmem:s0], [sflag:$0x2] =	stream.linear.gather [hbm4b:s22+s1], $0x80, $0x38;
	[tilespmem:$0x10500] =	vst v63  }
0x5a: {  	s25 =	simm.s32 $0xA80;
	(v2sf) =	vpush v1, $0xD;
	s24 =	spop (v2sf);
	s26 =	sadd.s32 s3, s23  }
0x5b: {  	(v2sf) =	vpush v63, $0xD;
	s29 =	sand.u32 $0x1FFFFFF0, s24;
	s23 =	simm.s32 $0x10;
	s24 =	simm.s32 $0x290  }
0x5c: {  	(v2sf) =	vpush v1, $0xE;
	[tilespmem:s25], [sflag:$0x1] =	stream.linear.gather [hbm4b:s26+s1], $0x80, $0x38;
	[tilespmem:$0x10500] =	vst v63  }
0x5d: {  	s30 =	sadd.s32 s4, s29;
	(v2sf) =	vpush v63, $0xE;
	s31 =	spop (v2sf);
	s26 =	simm.s32 $0xC00  }
0x5e: {  	(v2sf) =	vpush v1, $0xF;
	s25 =	simm.s32 $0x8C00;
	s0 =	sand.u32 $0x1FFFFFF0, s31;
	s2 =	spop (v2sf)  }
0x5f: {  	(v2sf) =	vpush v63, $0xF;
	[tilespmem:s5], [sflag:$0x2] =	stream.linear.gather [hbm4b:s30+s1], $0x80, $0x38;
	[tilespmem:$0x10500] =	vst v63  }
.LBB2_2:
0x60: {  	_ =	sdelay $0x4  }
0x61: {  	s0 =	sadd.s32 s3, s0;
	s2 =	sand.u32 $0x1FFFFFF0, s2  }
0x62: {  	[tilespmem:s28], [sflag:$0x1] =	stream.linear.gather [hbm4b:s0+s1], $0x80, $0x38;
	[tilespmem:$0x10500] =	vst v63  }
0x63: {  	s29 =	sadd.s32 s4, s2  }
0x64: {  	[tilespmem:s12], [sflag:$0x2] =	stream.linear.gather [hbm4b:s29+s1], $0x80, $0x38;
	[tilespmem:$0x10500] =	vst v63  }
0x65: {  	s5 =	spop (v2sf)  }
0x66: {  	s30 =	sand.u32 $0x1FFFFFF0, s5;
	s31 =	spop (v2sf)  }
0x67: {  	s2 =	sadd.s32 s3, s30;
	s5 =	sand.u32 $0x1FFFFFF0, s31;
	s6 =	spop (v2sf)  }
0x68: {  	[tilespmem:s13], [sflag:$0x1] =	stream.linear.gather [hbm4b:s2+s1], $0x80, $0x38;
	[tilespmem:$0x10500] =	vst v63  }
0x69: {  	s7 =	sadd.s32 s4, s5;
	s8 =	sand.u32 $0x1FFFFFF0, s6;
	s9 =	spop (v2sf)  }
0x6a: {  	[tilespmem:s10], [sflag:$0x2] =	stream.linear.gather [hbm4b:s7+s1], $0x80, $0x38;
	[tilespmem:$0x10500] =	vst v63  }
0x6b: {  	s11 =	sand.u32 $0x1FFFFFF0, s9;
	s12 =	spop (v2sf);
	s10 =	sadd.s32 s3, s8  }
0x6c: {  	[tilespmem:s26], [sflag:$0x1] =	stream.linear.gather [hbm4b:s10+s1], $0x80, $0x38;
	[tilespmem:$0x10500] =	vst v63  }
0x6d: {  	s13 =	sadd.s32 s4, s11;
	s14 =	sand.u32 $0x1FFFFFF0, s12;
	s15 =	spop (v2sf)  }
0x6e: {  	[tilespmem:s25], [sflag:$0x2] =	stream.linear.gather [hbm4b:s13+s1], $0x80, $0x38;
	[tilespmem:$0x10500] =	vst v63  }
0x6f: {  	s16 =	sadd.s32 $0xC80, s18;
	s2 =	sadd.s32 s3, s14;
	s5 =	sand.u32 $0x1FFFFFF0, s15  }
0x70: {  	[tilespmem:s16], [sflag:$0x1] =	stream.linear.gather [hbm4b:s2+s1], $0x80, $0x38;
	[tilespmem:$0x10500] =	vst v63  }
0x71: {  	s17 =	sadd.s32 $0x8C80, s18;
	s18 =	sadd.s32 s4, s5  }
0x72: {  	[tilespmem:s17], [sflag:$0x2] =	stream.linear.gather [hbm4b:s18+s1], $0x80, $0x38;
	[tilespmem:$0x10500] =	vst v63  }
0x73: {  	v0 =	vld [tilespmem:s23+$0x0]  }
0x74: {  	v2 =	vld [tilespmem:s24+$0x0];
	_ =	sdelay $0x3  }
0x75: {  	v1 =	vshll.u32 v0, $0x4  }
0x76: {  	s20 =	smov.u32 s19;
	v63 =	vshll.u32 v2, $0x4;
	(v2sf) =	vpush v1, $0x0  }
0x77: {  	s18 =	sshra.s32 s20, $0x2;
	(v2sf) =	vpush v63, $0x0  }
0x78: {  	p0 =	sne.s32 s19, $0x1E000;
	s19 =	sadd.s32 $0x2000, s19;
	s30 =	sadd.s32 $0x8500, s18;
	(v2sf) =	vpush v1, $0x1  }
0x79: {  	s6 =	sadd.s32 $0x780, s18;
	s0 =	sadd.s32 $0x980, s18;
	s29 =	sadd.s32 $0x500, s18  }
0x7a: {  	s13 =	sadd.s32 $0x700, s18;
	s21 =	sadd.s32 $0x8A00, s18;
	s12 =	sadd.s32 $0x680, s18;
	(v2sf) =	vpush v63, $0x1  }
0x7b: {  	s17 =	sadd.s32 $0x8680, s18;
	s22 =	sadd.s32 $0x8B00, s18;
	s20 =	sadd.s32 $0x600, s18  }
0x7c: {  	s14 =	sadd.s32 $0x8700, s18;
	s5 =	sadd.s32 $0xB80, s18;
	s31 =	sadd.s32 $0x8580, s18;
	(v2sf) =	vpush v1, $0x2  }
0x7d: {  	s11 =	sadd.s32 $0x8780, s18;
	s10 =	sadd.s32 $0x800, s18;
	[dreg:$0x8] =	wrdreg s0  }
0x7e: {  	s25 =	sadd.s32 $0x8A80, s18;
	s26 =	sadd.s32 $0x8B80, s18;
	[dreg:$0x4] =	wrdreg s21;
	(v2sf) =	vpush v63, $0x2  }
0x7f: {  	s9 =	sadd.s32 $0x8800, s18;
	s7 =	sadd.s32 $0x8980, s18;
	[dreg:$0x12] =	wrdreg s22  }
0x80: {  	s8 =	sadd.s32 $0xA00, s18;
	s15 =	sadd.s32 $0x8900, s18;
	[dreg:$0x6] =	wrdreg s25;
	(v2sf) =	vpush v1, $0x3  }
0x81: {  	s28 =	sadd.s32 $0xB00, s18;
	s16 =	sadd.s32 $0x900, s18;
	[dreg:$0x14] =	wrdreg s26  }
0x82: {  	s23 =	sadd.s32 $0x10, s23;
	s24 =	sadd.s32 $0x10, s24;
	[dreg:$0xc] =	wrdreg s7;
	(v2sf) =	vpush v63, $0x3  }
0x83: {  	s2 =	sadd.s32 $0xA80, s18;
	s0 =	sadd.s32 $0x8600, s18;
	[dreg:$0xa] =	wrdreg s8  }
0x84: {  	s8 =	sadd.s32 $0x880, s18;
	[dreg:$0xe] =	wrdreg s15;
	s15 =	sadd.s32 $0x580, s18;
	(v2sf) =	vpush v1, $0x4  }
0x85: {  	s7 =	sadd.s32 $0x8880, s18;
	[dreg:$0x10] =	wrdreg s16;
	s21 =	spop (v2sf)  }
0x86: {  	s26 =	sadd.s32 $0xC00, s18;
	s21 =	sand.u32 $0x1FFFFFF0, s21;
	s22 =	spop (v2sf);
	(v2sf) =	vpush v63, $0x4  }
0x87: {  	s21 =	sadd.s32 s3, s21;
	s22 =	sand.u32 $0x1FFFFFF0, s22;
	s16 =	spop (v2sf)  }
0x88: {  	(v2sf) =	vpush v1, $0x5;
	[tilespmem:s29], [sflag:$0x1] =	stream.linear.gather [hbm4b:s21+s1], $0x80, $0x38;
	[tilespmem:$0x10500] =	vst v63  }
0x89: {  	s22 =	sadd.s32 s4, s22;
	s16 =	sand.u32 $0x1FFFFFF0, s16;
	s29 =	spop (v2sf);
	(v2sf) =	vpush v63, $0x5  }
0x8a: {  	[tilespmem:s30], [sflag:$0x2] =	stream.linear.gather [hbm4b:s22+s1], $0x80, $0x38;
	[tilespmem:$0x10500] =	vst v63  }
0x8b: {  	s16 =	sadd.s32 s3, s16;
	s29 =	sand.u32 $0x1FFFFFF0, s29;
	s30 =	spop (v2sf);
	(v2sf) =	vpush v1, $0x6  }
0x8c: {  	[tilespmem:s15], [sflag:$0x1] =	stream.linear.gather [hbm4b:s16+s1], $0x80, $0x38;
	[tilespmem:$0x10500] =	vst v63  }
0x8d: {  	s21 =	sand.u32 $0x1FFFFFF0, s30;
	s22 =	spop (v2sf);
	(v2sf) =	vpush v63, $0x6;
	s16 =	sadd.s32 s4, s29  }
0x8e: {  	[tilespmem:s31], [sflag:$0x2] =	stream.linear.gather [hbm4b:s16+s1], $0x80, $0x38;
	[tilespmem:$0x10500] =	vst v63  }
0x8f: {  	s29 =	sadd.s32 s3, s21;
	s30 =	sand.u32 $0x1FFFFFF0, s22;
	s31 =	spop (v2sf)  }
0x90: {  	(v2sf) =	vpush v1, $0x7;
	[tilespmem:s20], [sflag:$0x1] =	stream.linear.gather [hbm4b:s29+s1], $0x80, $0x38;
	[tilespmem:$0x10500] =	vst v63  }
0x91: {  	s21 =	sand.u32 $0x1FFFFFF0, s31;
	s22 =	spop (v2sf);
	s20 =	sadd.s32 s4, s30  }
0x92: {  	(v2sf) =	vpush v63, $0x7;
	[tilespmem:s0], [sflag:$0x2] =	stream.linear.gather [hbm4b:s20+s1], $0x80, $0x38;
	[tilespmem:$0x10500] =	vst v63  }
0x93: {  	s29 =	sadd.s32 s3, s21;
	s30 =	sand.u32 $0x1FFFFFF0, s22;
	s31 =	spop (v2sf)  }
0x94: {  	[tilespmem:s12], [sflag:$0x1] =	stream.linear.gather [hbm4b:s29+s1], $0x80, $0x38;
	[tilespmem:$0x10500] =	vst v63  }
0x95: {  	s21 =	sand.u32 $0x1FFFFFF0, s31;
	s20 =	sadd.s32 s4, s30;
	s22 =	spop (v2sf)  }
0x96: {  	(v2sf) =	vpush v1, $0x8;
	[tilespmem:s17], [sflag:$0x2] =	stream.linear.gather [hbm4b:s20+s1], $0x80, $0x38;
	[tilespmem:$0x10500] =	vst v63  }
0x97: {  	s25 =	sadd.s32 $0x8C00, s18;
	s29 =	sadd.s32 s3, s21;
	s31 =	spop (v2sf)  }
0x98: {  	s12 =	rddreg [dreg:$0x12];
	(v2sf) =	vpush v63, $0x8;
	s30 =	sand.u32 $0x1FFFFFF0, s22;
	s20 =	spop (v2sf)  }
0x99: {  	(v2sf) =	vpush v1, $0x9;
	[tilespmem:s13], [sflag:$0x1] =	stream.linear.gather [hbm4b:s29+s1], $0x80, $0x38;
	[tilespmem:$0x10500] =	vst v63  }
0x9a: {  	s16 =	sadd.s32 s4, s30;
	s17 =	sand.u32 $0x1FFFFFF0, s31;
	s29 =	spop (v2sf)  }
0x9b: {  	(v2sf) =	vpush v63, $0x9;
	[tilespmem:s14], [sflag:$0x2] =	stream.linear.gather [hbm4b:s16+s1], $0x80, $0x38;
	[tilespmem:$0x10500] =	vst v63  }
0x9c: {  	s22 =	sand.u32 $0x1FFFFFF0, s20;
	s13 =	smov.u32 s5;
	s5 =	spop (v2sf)  }
0x9d: {  	s21 =	sadd.s32 s3, s17;
	s30 =	sadd.s32 s4, s22;
	s14 =	sand.u32 $0x1FFFFFF0, s5  }
0x9e: {  	[tilespmem:s6], [sflag:$0x1] =	stream.linear.gather [hbm4b:s21+s1], $0x80, $0x38;
	[tilespmem:$0x10500] =	vst v63  }
0x9f: {  	(v2sf) =	vpush v1, $0xA;
	s31 =	sand.u32 $0x1FFFFFF0, s29;
	s16 =	sadd.s32 s4, s14;
	s15 =	spop (v2sf)  }
0xa0: {  	[tilespmem:s11], [sflag:$0x2] =	stream.linear.gather [hbm4b:s30+s1], $0x80, $0x38;
	[tilespmem:$0x10500] =	vst v63  }
0xa1: {  	(v2sf) =	vpush v63, $0xA;
	s11 =	sadd.s32 s3, s31;
	s17 =	sand.u32 $0x1FFFFFF0, s15;
	s20 =	spop (v2sf)  }
0xa2: {  	[tilespmem:s10], [sflag:$0x1] =	stream.linear.gather [hbm4b:s11+s1], $0x80, $0x38;
	[tilespmem:$0x10500] =	vst v63  }
0xa3: {  	s21 =	sadd.s32 s3, s17;
	s22 =	sand.u32 $0x1FFFFFF0, s20;
	s10 =	rddreg [dreg:$0x14]  }
0xa4: {  	[tilespmem:s9], [sflag:$0x2] =	stream.linear.gather [hbm4b:s16+s1], $0x80, $0x38;
	[tilespmem:$0x10500] =	vst v63  }
0xa5: {  	(v2sf) =	vpush v1, $0xB;
	s29 =	spop (v2sf);
	s30 =	sadd.s32 s4, s22;
	s22 =	rddreg [dreg:$0x8]  }
0xa6: {  	[tilespmem:s8], [sflag:$0x1] =	stream.linear.gather [hbm4b:s21+s1], $0x80, $0x38;
	[tilespmem:$0x10500] =	vst v63  }
0xa7: {  	(v2sf) =	vpush v63, $0xB;
	s31 =	sand.u32 $0x1FFFFFF0, s29;
	s9 =	rddreg [dreg:$0x10];
	s5 =	spop (v2sf)  }
0xa8: {  	(v2sf) =	vpush v1, $0xC;
	s6 =	sadd.s32 s3, s31;
	s16 =	rddreg [dreg:$0xe];
	s8 =	spop (v2sf)  }
0xa9: {  	[tilespmem:s7], [sflag:$0x2] =	stream.linear.gather [hbm4b:s30+s1], $0x80, $0x38;
	[tilespmem:$0x10500] =	vst v63  }
0xaa: {  	(v2sf) =	vpush v63, $0xC;
	s7 =	sand.u32 $0x1FFFFFF0, s5;
	s14 =	sand.u32 $0x1FFFFFF0, s8;
	s15 =	spop (v2sf)  }
0xab: {  	[tilespmem:s9], [sflag:$0x1] =	stream.linear.gather [hbm4b:s6+s1], $0x80, $0x38;
	[tilespmem:$0x10500] =	vst v63  }
0xac: {  	s8 =	rddreg [dreg:$0xc];
	s11 =	sadd.s32 s4, s7;
	s17 =	sadd.s32 s3, s14  }
0xad: {  	[tilespmem:s16], [sflag:$0x2] =	stream.linear.gather [hbm4b:s11+s1], $0x80, $0x38;
	[tilespmem:$0x10500] =	vst v63  }
0xae: {  	s20 =	sand.u32 $0x1FFFFFF0, s15;
	s15 =	rddreg [dreg:$0xa];
	s21 =	spop (v2sf)  }
0xaf: {  	[tilespmem:s22], [sflag:$0x1] =	stream.linear.gather [hbm4b:s17+s1], $0x80, $0x38;
	[tilespmem:$0x10500] =	vst v63  }
0xb0: {  	s29 =	sadd.s32 s4, s20;
	s30 =	sand.u32 $0x1FFFFFF0, s21;
	s31 =	spop (v2sf)  }
0xb1: {  	[tilespmem:s8], [sflag:$0x2] =	stream.linear.gather [hbm4b:s29+s1], $0x80, $0x38;
	[tilespmem:$0x10500] =	vst v63  }
0xb2: {  	s21 =	rddreg [dreg:$0x4];
	s9 =	sadd.s32 s3, s30;
	s11 =	sand.u32 $0x1FFFFFF0, s31  }
0xb3: {  	[tilespmem:s15], [sflag:$0x1] =	stream.linear.gather [hbm4b:s9+s1], $0x80, $0x38;
	[tilespmem:$0x10500] =	vst v63  }
0xb4: {  	s31 =	rddreg [dreg:$0x6];
	s16 =	sadd.s32 s4, s11;
	s14 =	spop (v2sf)  }
0xb5: {  	(v2sf) =	vpush v1, $0xD;
	[tilespmem:s21], [sflag:$0x2] =	stream.linear.gather [hbm4b:s16+s1], $0x80, $0x38;
	[tilespmem:$0x10500] =	vst v63  }
.Ltmp0:
0xb6: {  	(v2sf) =	vpush v63, $0xD;
	s17 =	sand.u32 $0x1FFFFFF0, s14;
	s20 =	spop (v2sf);
	(pc) =	sbr.rel @p0 .LBB2_2-.Ltmp0, $4  }
0xb7: {  	(v2sf) =	vpush v1, $0xE;
	s22 =	sadd.s32 s3, s17;
	s29 =	sand.u32 $0x1FFFFFF0, s20;
	s30 =	spop (v2sf)  }
0xb8: {  	(v2sf) =	vpush v63, $0xE;
	[tilespmem:s2], [sflag:$0x1] =	stream.linear.gather [hbm4b:s22+s1], $0x80, $0x38;
	[tilespmem:$0x10500] =	vst v63  }
0xb9: {  	(v2sf) =	vpush v1, $0xF;
	s5 =	sadd.s32 s4, s29;
	s0 =	sand.u32 $0x1FFFFFF0, s30;
	s2 =	spop (v2sf)  }
0xba: {  	(v2sf) =	vpush v63, $0xF;
	[tilespmem:s31], [sflag:$0x2] =	stream.linear.gather [hbm4b:s5+s1], $0x80, $0x38;
	[tilespmem:$0x10500] =	vst v63  }
0xbb: {  	_ =	sdelay $0x4  }
0xbc: {  	s0 =	sadd.s32 s3, s0;
	s2 =	sand.u32 $0x1FFFFFF0, s2  }
0xbd: {  	[tilespmem:s28], [sflag:$0x1] =	stream.linear.gather [hbm4b:s0+s1], $0x80, $0x38;
	[tilespmem:$0x10500] =	vst v63  }
0xbe: {  	s6 =	sadd.s32 s4, s2  }
0xbf: {  	[tilespmem:s12], [sflag:$0x2] =	stream.linear.gather [hbm4b:s6+s1], $0x80, $0x38;
	[tilespmem:$0x10500] =	vst v63  }
0xc0: {  	s5 =	spop (v2sf)  }
0xc1: {  	s7 =	sand.u32 $0x1FFFFFF0, s5;
	s8 =	spop (v2sf)  }
0xc2: {  	s9 =	sadd.s32 s3, s7;
	s11 =	sand.u32 $0x1FFFFFF0, s8;
	s12 =	spop (v2sf)  }
0xc3: {  	[tilespmem:s13], [sflag:$0x1] =	stream.linear.gather [hbm4b:s9+s1], $0x80, $0x38;
	[tilespmem:$0x10500] =	vst v63  }
0xc4: {  	s14 =	sadd.s32 s4, s11;
	s15 =	sand.u32 $0x1FFFFFF0, s12;
	s16 =	spop (v2sf)  }
0xc5: {  	[tilespmem:s10], [sflag:$0x2] =	stream.linear.gather [hbm4b:s14+s1], $0x80, $0x38;
	[tilespmem:$0x10500] =	vst v63  }
0xc6: {  	s17 =	sadd.s32 s3, s15;
	s19 =	sand.u32 $0x1FFFFFF0, s16;
	s20 =	spop (v2sf)  }
0xc7: {  	[tilespmem:s26], [sflag:$0x1] =	stream.linear.gather [hbm4b:s17+s1], $0x80, $0x38;
	[tilespmem:$0x10500] =	vst v63  }
0xc8: {  	s21 =	sadd.s32 s4, s19;
	s22 =	sand.u32 $0x1FFFFFF0, s20;
	s23 =	spop (v2sf)  }
0xc9: {  	[tilespmem:s25], [sflag:$0x2] =	stream.linear.gather [hbm4b:s21+s1], $0x80, $0x38;
	[tilespmem:$0x10500] =	vst v63  }
0xca: {  	s24 =	sadd.s32 $0xC80, s18;
	s2 =	sadd.s32 s3, s22;
	s5 =	sand.u32 $0x1FFFFFF0, s23  }
0xcb: {  	[tilespmem:s24], [sflag:$0x1] =	stream.linear.gather [hbm4b:s2+s1], $0x80, $0x38;
	[tilespmem:$0x10500] =	vst v63  }
0xcc: {  	s29 =	simm.s32 $0x1;
	s26 =	sadd.s32 s4, s5;
	s25 =	sadd.s32 $0x8C80, s18  }
0xcd: {  	[tilespmem:s25], [sflag:$0x2] =	stream.linear.gather [hbm4b:s26+s1], $0x80, $0x38;
	[tilespmem:$0x10500] =	vst v63  }
0xce: {  	_ =	swait.ge [sflag:s29], $0x8000  }
0xcf: {  	[sflag:s29] =	ssyncset.done $0x0  }
0xd0: {  	s30 =	simm.s32 $0x2;
	[sflag:s29] =	ssyncadd.s32 $0xFFFF8000  }
0xd1: {  	_ =	swait.ge [sflag:s30], $0x8000  }
0xd2: {  	s31 =	simm.s32 $0x0;
	s7 =	simm.s32 $0x500;
	[sflag:s30] =	ssyncset.done $0x0  }
0xd3: {  	s8 =	simm.s32 $0x3;
	s6 =	rddreg [dreg:$0x18];
	[sflag:s30] =	ssyncadd.s32 $0xFFFF8000  }
0xd4: {  	[hbm4b:s6+s31] =	stream.linear.scatter [tilespmem:s7], [sflag:$0x3], $0x8000, $0x38;
	[tilespmem:$0x10500] =	vst v63  }
0xd5: {  	_ =	swait.ge [sflag:s8], $0x8000  }
0xd6: {  	[sflag:s8] =	ssyncset.done $0x0  }
0xd7: {  	s6 =	simm.s32 $0x8500;
	s9 =	rddreg [dreg:$0x19];
	[sflag:s8] =	ssyncadd.s32 $0xFFFF8000  }
0xd8: {  	[hbm4b:s9+s31] =	stream.linear.scatter [tilespmem:s6], [sflag:$0x3], $0x8000, $0x38;
	[tilespmem:$0x10500] =	vst v63  }
0xd9: {  	_ =	swait.ge [sflag:s8], $0x8000  }
0xda: {  	[sflag:s8] =	ssyncset.done $0x0  }
0xdb: {  	s10 =	simm.s32 $0x100;
	[sflag:s8] =	ssyncadd.s32 $0xFFFF8000  }
0xdc: {  	s11 =	simm.s32 $0x380;
	v0 =	vld [tilespmem:s10+$0x0]  }
0xdd: {  	v2 =	vld [tilespmem:s11+$0x0];
	_ =	sdelay $0x3  }
0xde: {  	v1 =	vshll.u32 v0, $0x4  }
0xdf: {  	v63 =	vshll.u32 v2, $0x4;
	(v2sf) =	vpush v1, $0x0  }
0xe0: {  	(v2sf) =	vpush v63, $0x0;
	_ =	sdelay $0x2  }
0xe1: {  	(v2sf) =	vpush v1, $0x1  }
0xe2: {  	(v2sf) =	vpush v63, $0x1;
	_ =	sdelay $0x1  }
0xe3: {  	(v2sf) =	vpush v1, $0x2;
	_ =	sdelay $0x1  }
0xe4: {  	(v2sf) =	vpush v63, $0x2;
	_ =	sdelay $0x1  }
0xe5: {  	s0 =	simm.s32 $0x8A00;
	(v2sf) =	vpush v1, $0x3  }
0xe6: {  	s28 =	simm.s32 $0xB00;
	s12 =	simm.s32 $0x8500;
	s16 =	simm.s32 $0x580  }
0xe7: {  	s19 =	simm.s32 $0x2000;
	s23 =	simm.s32 $0x600;
	s5 =	simm.s32 $0x780;
	(v2sf) =	vpush v63, $0x3  }
0xe8: {  	s18 =	simm.s32 $0x0;
	s21 =	simm.s32 $0x8580;
	s2 =	simm.s32 $0x980  }
0xe9: {  	s26 =	simm.s32 $0x8600;
	s7 =	simm.s32 $0x500;
	s8 =	spop (v2sf)  }
0xea: {  	s9 =	simm.s32 $0x700;
	s8 =	sand.u32 $0x1FFFFFF0, s8;
	s11 =	spop (v2sf)  }
0xeb: {  	s10 =	simm.s32 $0x680;
	(v2sf) =	vpush v1, $0x4;
	s8 =	sadd.s32 s3, s8;
	s13 =	sand.u32 $0x1FFFFFF0, s11  }
0xec: {  	(v2sf) =	vpush v63, $0x4;
	[tilespmem:s7], [sflag:$0x1] =	stream.linear.gather [hbm4b:s8+s1], $0x80, $0x38;
	[tilespmem:$0x10500] =	vst v63  }
0xed: {  	s14 =	spop (v2sf);
	s7 =	simm.s32 $0x8680;
	s8 =	sadd.s32 s4, s13  }
0xee: {  	s11 =	sand.u32 $0x1FFFFFF0, s14;
	s15 =	spop (v2sf);
	s14 =	simm.s32 $0x8700  }
0xef: {  	(v2sf) =	vpush v1, $0x5;
	[tilespmem:s12], [sflag:$0x2] =	stream.linear.gather [hbm4b:s8+s1], $0x80, $0x38;
	[tilespmem:$0x10500] =	vst v63  }
0xf0: {  	s17 =	sadd.s32 s3, s11;
	s20 =	sand.u32 $0x1FFFFFF0, s15;
	s22 =	spop (v2sf)  }
0xf1: {  	(v2sf) =	vpush v63, $0x5;
	[tilespmem:s16], [sflag:$0x1] =	stream.linear.gather [hbm4b:s17+s1], $0x80, $0x38;
	[tilespmem:$0x10500] =	vst v63  }
0xf2: {  	s11 =	sadd.s32 s4, s20;
	s8 =	sand.u32 $0x1FFFFFF0, s22;
	s24 =	spop (v2sf)  }
0xf3: {  	[tilespmem:s21], [sflag:$0x2] =	stream.linear.gather [hbm4b:s11+s1], $0x80, $0x38;
	[tilespmem:$0x10500] =	vst v63  }
0xf4: {  	(v2sf) =	vpush v1, $0x6;
	s8 =	sadd.s32 s3, s8;
	s25 =	spop (v2sf);
	s11 =	sand.u32 $0x1FFFFFF0, s24  }
0xf5: {  	(v2sf) =	vpush v63, $0x6;
	[tilespmem:s23], [sflag:$0x1] =	stream.linear.gather [hbm4b:s8+s1], $0x80, $0x38;
	[tilespmem:$0x10500] =	vst v63  }
0xf6: {  	s30 =	sand.u32 $0x1FFFFFF0, s25;
	s31 =	spop (v2sf);
	s29 =	sadd.s32 s4, s11  }
0xf7: {  	(v2sf) =	vpush v1, $0x7;
	[tilespmem:s26], [sflag:$0x2] =	stream.linear.gather [hbm4b:s29+s1], $0x80, $0x38;
	[tilespmem:$0x10500] =	vst v63  }
0xf8: {  	s12 =	simm.s32 $0x8B00;
	s13 =	sadd.s32 s3, s30;
	s6 =	sand.u32 $0x1FFFFFF0, s31  }
0xf9: {  	[tilespmem:s10], [sflag:$0x1] =	stream.linear.gather [hbm4b:s13+s1], $0x80, $0x38;
	[tilespmem:$0x10500] =	vst v63  }
0xfa: {  	s6 =	sadd.s32 s4, s6;
	s21 =	simm.s32 $0x8780;
	s15 =	spop (v2sf)  }
0xfb: {  	(v2sf) =	vpush v63, $0x7;
	s23 =	simm.s32 $0x800;
	s10 =	sand.u32 $0x1FFFFFF0, s15;
	s16 =	spop (v2sf)  }
0xfc: {  	[tilespmem:s7], [sflag:$0x2] =	stream.linear.gather [hbm4b:s6+s1], $0x80, $0x38;
	[tilespmem:$0x10500] =	vst v63  }
0xfd: {  	s13 =	simm.s32 $0xB80;
	(v2sf) =	vpush v1, $0x8;
	s17 =	sadd.s32 s3, s10;
	s20 =	sand.u32 $0x1FFFFFF0, s16  }
0xfe: {  	s10 =	simm.s32 $0x8B80;
	s22 =	spop (v2sf);
	s7 =	sadd.s32 s4, s20  }
0xff: {  	(v2sf) =	vpush v63, $0x8;
	[tilespmem:s9], [sflag:$0x1] =	stream.linear.gather [hbm4b:s17+s1], $0x80, $0x38;
	[tilespmem:$0x10500] =	vst v63  }
0x100: {  	s24 =	sand.u32 $0x1FFFFFF0, s22;
	s25 =	spop (v2sf);
	s17 =	simm.s32 $0x880  }
0x101: {  	(v2sf) =	vpush v1, $0x9;
	s22 =	simm.s32 $0x8880;
	s8 =	sadd.s32 s3, s24;
	s9 =	sand.u32 $0x1FFFFFF0, s25  }
0x102: {  	(v2sf) =	vpush v63, $0x9;
	[tilespmem:s14], [sflag:$0x2] =	stream.linear.gather [hbm4b:s7+s1], $0x80, $0x38;
	[tilespmem:$0x10500] =	vst v63  }
0x103: {  	s26 =	spop (v2sf);
	s24 =	simm.s32 $0x900;
	s29 =	sadd.s32 s4, s9  }
0x104: {  	(v2sf) =	vpush v1, $0xA;
	s30 =	sand.u32 $0x1FFFFFF0, s26;
	s31 =	spop (v2sf);
	s14 =	simm.s32 $0x8800  }
0x105: {  	[tilespmem:s5], [sflag:$0x1] =	stream.linear.gather [hbm4b:s8+s1], $0x80, $0x38;
	[tilespmem:$0x10500] =	vst v63  }
0x106: {  	(v2sf) =	vpush v63, $0xA;
	s9 =	simm.s32 $0x8980;
	s11 =	sadd.s32 s3, s30;
	s15 =	spop (v2sf)  }
0x107: {  	[tilespmem:s21], [sflag:$0x2] =	stream.linear.gather [hbm4b:s29+s1], $0x80, $0x38;
	[tilespmem:$0x10500] =	vst v63  }
0x108: {  	s6 =	sand.u32 $0x1FFFFFF0, s31;
	(v2sf) =	vpush v1, $0xB;
	s5 =	simm.s32 $0x8A80;
	s8 =	sand.u32 $0x1FFFFFF0, s15  }
0x109: {  	[tilespmem:s23], [sflag:$0x1] =	stream.linear.gather [hbm4b:s11+s1], $0x80, $0x38;
	[tilespmem:$0x10500] =	vst v63  }
0x10a: {  	s6 =	sadd.s32 s4, s6;
	s16 =	spop (v2sf);
	s20 =	sadd.s32 s3, s8  }
0x10b: {  	[tilespmem:s14], [sflag:$0x2] =	stream.linear.gather [hbm4b:s6+s1], $0x80, $0x38;
	[tilespmem:$0x10500] =	vst v63  }
0x10c: {  	(v2sf) =	vpush v63, $0xB;
	s21 =	sand.u32 $0x1FFFFFF0, s16;
	s29 =	simm.s32 $0x8900;
	s23 =	spop (v2sf)  }
0x10d: {  	[tilespmem:s17], [sflag:$0x1] =	stream.linear.gather [hbm4b:s20+s1], $0x80, $0x38;
	[tilespmem:$0x10500] =	vst v63  }
0x10e: {  	s8 =	sadd.s32 s4, s21;
	s7 =	sand.u32 $0x1FFFFFF0, s23;
	s25 =	spop (v2sf)  }
0x10f: {  	[tilespmem:s22], [sflag:$0x2] =	stream.linear.gather [hbm4b:s8+s1], $0x80, $0x38;
	[tilespmem:$0x10500] =	vst v63  }
0x110: {  	s14 =	simm.s32 $0xA00;
	(v2sf) =	vpush v1, $0xC;
	s7 =	sadd.s32 s3, s7;
	s26 =	spop (v2sf)  }
0x111: {  	s8 =	sand.u32 $0x1FFFFFF0, s25;
	(v2sf) =	vpush v63, $0xC;
	s25 =	simm.s32 $0xA80;
	s11 =	spop (v2sf)  }
0x112: {  	[tilespmem:s24], [sflag:$0x1] =	stream.linear.gather [hbm4b:s7+s1], $0x80, $0x38;
	[tilespmem:$0x10500] =	vst v63  }
0x113: {  	s30 =	sadd.s32 s4, s8;
	s31 =	sand.u32 $0x1FFFFFF0, s26;
	s15 =	spop (v2sf)  }
0x114: {  	[tilespmem:s29], [sflag:$0x2] =	stream.linear.gather [hbm4b:s30+s1], $0x80, $0x38;
	[tilespmem:$0x10500] =	vst v63  }
0x115: {  	s8 =	sadd.s32 s3, s31;
	s7 =	sand.u32 $0x1FFFFFF0, s11;
	s16 =	spop (v2sf)  }
0x116: {  	[tilespmem:s2], [sflag:$0x1] =	stream.linear.gather [hbm4b:s8+s1], $0x80, $0x38;
	[tilespmem:$0x10500] =	vst v63  }
0x117: {  	s7 =	sadd.s32 s4, s7;
	s21 =	spop (v2sf);
	s8 =	sand.u32 $0x1FFFFFF0, s15  }
0x118: {  	[tilespmem:s9], [sflag:$0x2] =	stream.linear.gather [hbm4b:s7+s1], $0x80, $0x38;
	[tilespmem:$0x10500] =	vst v63  }
0x119: {  	s20 =	sand.u32 $0x1FFFFFF0, s16;
	s23 =	sand.u32 $0x1FFFFFF0, s21;
	s17 =	sadd.s32 s3, s8  }
0x11a: {  	[tilespmem:s14], [sflag:$0x1] =	stream.linear.gather [hbm4b:s17+s1], $0x80, $0x38;
	[tilespmem:$0x10500] =	vst v63  }
0x11b: {  	s22 =	sadd.s32 s4, s20;
	s24 =	spop (v2sf);
	s26 =	sadd.s32 s3, s23  }
0x11c: {  	(v2sf) =	vpush v1, $0xD;
	[tilespmem:s0], [sflag:$0x2] =	stream.linear.gather [hbm4b:s22+s1], $0x80, $0x38;
	[tilespmem:$0x10500] =	vst v63  }
0x11d: {  	(v2sf) =	vpush v63, $0xD;
	s29 =	sand.u32 $0x1FFFFFF0, s24;
	s23 =	simm.s32 $0x110;
	s24 =	simm.s32 $0x390  }
0x11e: {  	(v2sf) =	vpush v1, $0xE;
	[tilespmem:s25], [sflag:$0x1] =	stream.linear.gather [hbm4b:s26+s1], $0x80, $0x38;
	[tilespmem:$0x10500] =	vst v63  }
0x11f: {  	s30 =	sadd.s32 s4, s29;
	(v2sf) =	vpush v63, $0xE;
	s31 =	spop (v2sf);
	s26 =	simm.s32 $0xC00  }
0x120: {  	(v2sf) =	vpush v1, $0xF;
	s25 =	simm.s32 $0x8C00;
	s0 =	sand.u32 $0x1FFFFFF0, s31;
	s2 =	spop (v2sf)  }
0x121: {  	(v2sf) =	vpush v63, $0xF;
	[tilespmem:s5], [sflag:$0x2] =	stream.linear.gather [hbm4b:s30+s1], $0x80, $0x38;
	[tilespmem:$0x10500] =	vst v63  }
.LBB2_4:
0x122: {  	_ =	sdelay $0x4  }
0x123: {  	s0 =	sadd.s32 s3, s0;
	s2 =	sand.u32 $0x1FFFFFF0, s2  }
0x124: {  	[tilespmem:s28], [sflag:$0x1] =	stream.linear.gather [hbm4b:s0+s1], $0x80, $0x38;
	[tilespmem:$0x10500] =	vst v63  }
0x125: {  	s29 =	sadd.s32 s4, s2  }
0x126: {  	[tilespmem:s12], [sflag:$0x2] =	stream.linear.gather [hbm4b:s29+s1], $0x80, $0x38;
	[tilespmem:$0x10500] =	vst v63  }
0x127: {  	s5 =	spop (v2sf)  }
0x128: {  	s30 =	sand.u32 $0x1FFFFFF0, s5;
	s31 =	spop (v2sf)  }
0x129: {  	s2 =	sadd.s32 s3, s30;
	s5 =	sand.u32 $0x1FFFFFF0, s31;
	s6 =	spop (v2sf)  }
0x12a: {  	[tilespmem:s13], [sflag:$0x1] =	stream.linear.gather [hbm4b:s2+s1], $0x80, $0x38;
	[tilespmem:$0x10500] =	vst v63  }
0x12b: {  	s7 =	sadd.s32 s4, s5;
	s8 =	sand.u32 $0x1FFFFFF0, s6;
	s9 =	spop (v2sf)  }
0x12c: {  	[tilespmem:s10], [sflag:$0x2] =	stream.linear.gather [hbm4b:s7+s1], $0x80, $0x38;
	[tilespmem:$0x10500] =	vst v63  }
0x12d: {  	s11 =	sand.u32 $0x1FFFFFF0, s9;
	s12 =	spop (v2sf);
	s10 =	sadd.s32 s3, s8  }
0x12e: {  	[tilespmem:s26], [sflag:$0x1] =	stream.linear.gather [hbm4b:s10+s1], $0x80, $0x38;
	[tilespmem:$0x10500] =	vst v63  }
0x12f: {  	s13 =	sadd.s32 s4, s11;
	s14 =	sand.u32 $0x1FFFFFF0, s12;
	s15 =	spop (v2sf)  }
0x130: {  	[tilespmem:s25], [sflag:$0x2] =	stream.linear.gather [hbm4b:s13+s1], $0x80, $0x38;
	[tilespmem:$0x10500] =	vst v63  }
0x131: {  	s16 =	sadd.s32 $0xC80, s18;
	s2 =	sadd.s32 s3, s14;
	s5 =	sand.u32 $0x1FFFFFF0, s15  }
0x132: {  	[tilespmem:s16], [sflag:$0x1] =	stream.linear.gather [hbm4b:s2+s1], $0x80, $0x38;
	[tilespmem:$0x10500] =	vst v63  }
0x133: {  	s17 =	sadd.s32 $0x8C80, s18;
	s18 =	sadd.s32 s4, s5  }
0x134: {  	[tilespmem:s17], [sflag:$0x2] =	stream.linear.gather [hbm4b:s18+s1], $0x80, $0x38;
	[tilespmem:$0x10500] =	vst v63  }
0x135: {  	v0 =	vld [tilespmem:s23+$0x0]  }
0x136: {  	v2 =	vld [tilespmem:s24+$0x0];
	_ =	sdelay $0x3  }
0x137: {  	v1 =	vshll.u32 v0, $0x4  }
0x138: {  	s20 =	smov.u32 s19;
	v63 =	vshll.u32 v2, $0x4;
	(v2sf) =	vpush v1, $0x0  }
0x139: {  	s18 =	sshra.s32 s20, $0x2;
	(v2sf) =	vpush v63, $0x0  }
0x13a: {  	p0 =	sne.s32 s19, $0x1E000;
	s19 =	sadd.s32 $0x2000, s19;
	s30 =	sadd.s32 $0x8500, s18;
	(v2sf) =	vpush v1, $0x1  }
0x13b: {  	s6 =	sadd.s32 $0x780, s18;
	s0 =	sadd.s32 $0x980, s18;
	s29 =	sadd.s32 $0x500, s18  }
0x13c: {  	s13 =	sadd.s32 $0x700, s18;
	s21 =	sadd.s32 $0x8A00, s18;
	s12 =	sadd.s32 $0x680, s18;
	(v2sf) =	vpush v63, $0x1  }
0x13d: {  	s17 =	sadd.s32 $0x8680, s18;
	s22 =	sadd.s32 $0x8B00, s18;
	s20 =	sadd.s32 $0x600, s18  }
0x13e: {  	s14 =	sadd.s32 $0x8700, s18;
	s5 =	sadd.s32 $0xB80, s18;
	s31 =	sadd.s32 $0x8580, s18;
	(v2sf) =	vpush v1, $0x2  }
0x13f: {  	s11 =	sadd.s32 $0x8780, s18;
	s10 =	sadd.s32 $0x800, s18;
	[dreg:$0x9] =	wrdreg s0  }
0x140: {  	s25 =	sadd.s32 $0x8A80, s18;
	s26 =	sadd.s32 $0x8B80, s18;
	[dreg:$0x5] =	wrdreg s21;
	(v2sf) =	vpush v63, $0x2  }
0x141: {  	s9 =	sadd.s32 $0x8800, s18;
	s7 =	sadd.s32 $0x8980, s18;
	[dreg:$0x13] =	wrdreg s22  }
0x142: {  	s8 =	sadd.s32 $0xA00, s18;
	s15 =	sadd.s32 $0x8900, s18;
	[dreg:$0x7] =	wrdreg s25;
	(v2sf) =	vpush v1, $0x3  }
0x143: {  	s28 =	sadd.s32 $0xB00, s18;
	s16 =	sadd.s32 $0x900, s18;
	[dreg:$0x15] =	wrdreg s26  }
0x144: {  	s23 =	sadd.s32 $0x10, s23;
	s24 =	sadd.s32 $0x10, s24;
	[dreg:$0xd] =	wrdreg s7;
	(v2sf) =	vpush v63, $0x3  }
0x145: {  	s2 =	sadd.s32 $0xA80, s18;
	s0 =	sadd.s32 $0x8600, s18;
	[dreg:$0xb] =	wrdreg s8  }
0x146: {  	s8 =	sadd.s32 $0x880, s18;
	[dreg:$0xf] =	wrdreg s15;
	s15 =	sadd.s32 $0x580, s18;
	(v2sf) =	vpush v1, $0x4  }
0x147: {  	s7 =	sadd.s32 $0x8880, s18;
	[dreg:$0x11] =	wrdreg s16;
	s21 =	spop (v2sf)  }
0x148: {  	s26 =	sadd.s32 $0xC00, s18;
	s21 =	sand.u32 $0x1FFFFFF0, s21;
	s22 =	spop (v2sf);
	(v2sf) =	vpush v63, $0x4  }
0x149: {  	s21 =	sadd.s32 s3, s21;
	s22 =	sand.u32 $0x1FFFFFF0, s22;
	s16 =	spop (v2sf)  }
0x14a: {  	(v2sf) =	vpush v1, $0x5;
	[tilespmem:s29], [sflag:$0x1] =	stream.linear.gather [hbm4b:s21+s1], $0x80, $0x38;
	[tilespmem:$0x10500] =	vst v63  }
0x14b: {  	s22 =	sadd.s32 s4, s22;
	s16 =	sand.u32 $0x1FFFFFF0, s16;
	s29 =	spop (v2sf);
	(v2sf) =	vpush v63, $0x5  }
0x14c: {  	[tilespmem:s30], [sflag:$0x2] =	stream.linear.gather [hbm4b:s22+s1], $0x80, $0x38;
	[tilespmem:$0x10500] =	vst v63  }
0x14d: {  	s16 =	sadd.s32 s3, s16;
	s29 =	sand.u32 $0x1FFFFFF0, s29;
	s30 =	spop (v2sf);
	(v2sf) =	vpush v1, $0x6  }
0x14e: {  	[tilespmem:s15], [sflag:$0x1] =	stream.linear.gather [hbm4b:s16+s1], $0x80, $0x38;
	[tilespmem:$0x10500] =	vst v63  }
0x14f: {  	s21 =	sand.u32 $0x1FFFFFF0, s30;
	s22 =	spop (v2sf);
	(v2sf) =	vpush v63, $0x6;
	s16 =	sadd.s32 s4, s29  }
0x150: {  	[tilespmem:s31], [sflag:$0x2] =	stream.linear.gather [hbm4b:s16+s1], $0x80, $0x38;
	[tilespmem:$0x10500] =	vst v63  }
0x151: {  	s29 =	sadd.s32 s3, s21;
	s30 =	sand.u32 $0x1FFFFFF0, s22;
	s31 =	spop (v2sf)  }
0x152: {  	(v2sf) =	vpush v1, $0x7;
	[tilespmem:s20], [sflag:$0x1] =	stream.linear.gather [hbm4b:s29+s1], $0x80, $0x38;
	[tilespmem:$0x10500] =	vst v63  }
0x153: {  	s21 =	sand.u32 $0x1FFFFFF0, s31;
	s22 =	spop (v2sf);
	s20 =	sadd.s32 s4, s30  }
0x154: {  	(v2sf) =	vpush v63, $0x7;
	[tilespmem:s0], [sflag:$0x2] =	stream.linear.gather [hbm4b:s20+s1], $0x80, $0x38;
	[tilespmem:$0x10500] =	vst v63  }
0x155: {  	s29 =	sadd.s32 s3, s21;
	s30 =	sand.u32 $0x1FFFFFF0, s22;
	s31 =	spop (v2sf)  }
0x156: {  	[tilespmem:s12], [sflag:$0x1] =	stream.linear.gather [hbm4b:s29+s1], $0x80, $0x38;
	[tilespmem:$0x10500] =	vst v63  }
0x157: {  	s21 =	sand.u32 $0x1FFFFFF0, s31;
	s20 =	sadd.s32 s4, s30;
	s22 =	spop (v2sf)  }
0x158: {  	(v2sf) =	vpush v1, $0x8;
	[tilespmem:s17], [sflag:$0x2] =	stream.linear.gather [hbm4b:s20+s1], $0x80, $0x38;
	[tilespmem:$0x10500] =	vst v63  }
0x159: {  	s25 =	sadd.s32 $0x8C00, s18;
	s29 =	sadd.s32 s3, s21;
	s31 =	spop (v2sf)  }
0x15a: {  	s12 =	rddreg [dreg:$0x13];
	(v2sf) =	vpush v63, $0x8;
	s30 =	sand.u32 $0x1FFFFFF0, s22;
	s20 =	spop (v2sf)  }
0x15b: {  	(v2sf) =	vpush v1, $0x9;
	[tilespmem:s13], [sflag:$0x1] =	stream.linear.gather [hbm4b:s29+s1], $0x80, $0x38;
	[tilespmem:$0x10500] =	vst v63  }
0x15c: {  	s16 =	sadd.s32 s4, s30;
	s17 =	sand.u32 $0x1FFFFFF0, s31;
	s29 =	spop (v2sf)  }
0x15d: {  	(v2sf) =	vpush v63, $0x9;
	[tilespmem:s14], [sflag:$0x2] =	stream.linear.gather [hbm4b:s16+s1], $0x80, $0x38;
	[tilespmem:$0x10500] =	vst v63  }
0x15e: {  	s22 =	sand.u32 $0x1FFFFFF0, s20;
	s13 =	smov.u32 s5;
	s5 =	spop (v2sf)  }
0x15f: {  	s21 =	sadd.s32 s3, s17;
	s30 =	sadd.s32 s4, s22;
	s14 =	sand.u32 $0x1FFFFFF0, s5  }
0x160: {  	[tilespmem:s6], [sflag:$0x1] =	stream.linear.gather [hbm4b:s21+s1], $0x80, $0x38;
	[tilespmem:$0x10500] =	vst v63  }
0x161: {  	(v2sf) =	vpush v1, $0xA;
	s31 =	sand.u32 $0x1FFFFFF0, s29;
	s16 =	sadd.s32 s4, s14;
	s15 =	spop (v2sf)  }
0x162: {  	[tilespmem:s11], [sflag:$0x2] =	stream.linear.gather [hbm4b:s30+s1], $0x80, $0x38;
	[tilespmem:$0x10500] =	vst v63  }
0x163: {  	(v2sf) =	vpush v63, $0xA;
	s11 =	sadd.s32 s3, s31;
	s17 =	sand.u32 $0x1FFFFFF0, s15;
	s20 =	spop (v2sf)  }
0x164: {  	[tilespmem:s10], [sflag:$0x1] =	stream.linear.gather [hbm4b:s11+s1], $0x80, $0x38;
	[tilespmem:$0x10500] =	vst v63  }
0x165: {  	s21 =	sadd.s32 s3, s17;
	s22 =	sand.u32 $0x1FFFFFF0, s20;
	s10 =	rddreg [dreg:$0x15]  }
0x166: {  	[tilespmem:s9], [sflag:$0x2] =	stream.linear.gather [hbm4b:s16+s1], $0x80, $0x38;
	[tilespmem:$0x10500] =	vst v63  }
0x167: {  	(v2sf) =	vpush v1, $0xB;
	s29 =	spop (v2sf);
	s30 =	sadd.s32 s4, s22;
	s22 =	rddreg [dreg:$0x9]  }
0x168: {  	[tilespmem:s8], [sflag:$0x1] =	stream.linear.gather [hbm4b:s21+s1], $0x80, $0x38;
	[tilespmem:$0x10500] =	vst v63  }
0x169: {  	(v2sf) =	vpush v63, $0xB;
	s31 =	sand.u32 $0x1FFFFFF0, s29;
	s9 =	rddreg [dreg:$0x11];
	s5 =	spop (v2sf)  }
0x16a: {  	(v2sf) =	vpush v1, $0xC;
	s6 =	sadd.s32 s3, s31;
	s16 =	rddreg [dreg:$0xf];
	s8 =	spop (v2sf)  }
0x16b: {  	[tilespmem:s7], [sflag:$0x2] =	stream.linear.gather [hbm4b:s30+s1], $0x80, $0x38;
	[tilespmem:$0x10500] =	vst v63  }
0x16c: {  	(v2sf) =	vpush v63, $0xC;
	s7 =	sand.u32 $0x1FFFFFF0, s5;
	s14 =	sand.u32 $0x1FFFFFF0, s8;
	s15 =	spop (v2sf)  }
0x16d: {  	[tilespmem:s9], [sflag:$0x1] =	stream.linear.gather [hbm4b:s6+s1], $0x80, $0x38;
	[tilespmem:$0x10500] =	vst v63  }
0x16e: {  	s8 =	rddreg [dreg:$0xd];
	s11 =	sadd.s32 s4, s7;
	s17 =	sadd.s32 s3, s14  }
0x16f: {  	[tilespmem:s16], [sflag:$0x2] =	stream.linear.gather [hbm4b:s11+s1], $0x80, $0x38;
	[tilespmem:$0x10500] =	vst v63  }
0x170: {  	s20 =	sand.u32 $0x1FFFFFF0, s15;
	s15 =	rddreg [dreg:$0xb];
	s21 =	spop (v2sf)  }
0x171: {  	[tilespmem:s22], [sflag:$0x1] =	stream.linear.gather [hbm4b:s17+s1], $0x80, $0x38;
	[tilespmem:$0x10500] =	vst v63  }
0x172: {  	s29 =	sadd.s32 s4, s20;
	s30 =	sand.u32 $0x1FFFFFF0, s21;
	s31 =	spop (v2sf)  }
0x173: {  	[tilespmem:s8], [sflag:$0x2] =	stream.linear.gather [hbm4b:s29+s1], $0x80, $0x38;
	[tilespmem:$0x10500] =	vst v63  }
0x174: {  	s21 =	rddreg [dreg:$0x5];
	s9 =	sadd.s32 s3, s30;
	s11 =	sand.u32 $0x1FFFFFF0, s31  }
0x175: {  	[tilespmem:s15], [sflag:$0x1] =	stream.linear.gather [hbm4b:s9+s1], $0x80, $0x38;
	[tilespmem:$0x10500] =	vst v63  }
0x176: {  	s31 =	rddreg [dreg:$0x7];
	s16 =	sadd.s32 s4, s11;
	s14 =	spop (v2sf)  }
0x177: {  	(v2sf) =	vpush v1, $0xD;
	[tilespmem:s21], [sflag:$0x2] =	stream.linear.gather [hbm4b:s16+s1], $0x80, $0x38;
	[tilespmem:$0x10500] =	vst v63  }
.Ltmp1:
0x178: {  	(v2sf) =	vpush v63, $0xD;
	s17 =	sand.u32 $0x1FFFFFF0, s14;
	s20 =	spop (v2sf);
	(pc) =	sbr.rel @p0 .LBB2_4-.Ltmp1, $4  }
0x179: {  	(v2sf) =	vpush v1, $0xE;
	s22 =	sadd.s32 s3, s17;
	s29 =	sand.u32 $0x1FFFFFF0, s20;
	s30 =	spop (v2sf)  }
0x17a: {  	(v2sf) =	vpush v63, $0xE;
	[tilespmem:s2], [sflag:$0x1] =	stream.linear.gather [hbm4b:s22+s1], $0x80, $0x38;
	[tilespmem:$0x10500] =	vst v63  }
0x17b: {  	(v2sf) =	vpush v1, $0xF;
	s5 =	sadd.s32 s4, s29;
	s0 =	sand.u32 $0x1FFFFFF0, s30;
	s2 =	spop (v2sf)  }
0x17c: {  	(v2sf) =	vpush v63, $0xF;
	[tilespmem:s31], [sflag:$0x2] =	stream.linear.gather [hbm4b:s5+s1], $0x80, $0x38;
	[tilespmem:$0x10500] =	vst v63  }
0x17d: {  	_ =	sdelay $0x4  }
0x17e: {  	s0 =	sadd.s32 s3, s0;
	s2 =	sand.u32 $0x1FFFFFF0, s2  }
0x17f: {  	[tilespmem:s28], [sflag:$0x1] =	stream.linear.gather [hbm4b:s0+s1], $0x80, $0x38;
	[tilespmem:$0x10500] =	vst v63  }
0x180: {  	s29 =	sadd.s32 s4, s2  }
0x181: {  	[tilespmem:s12], [sflag:$0x2] =	stream.linear.gather [hbm4b:s29+s1], $0x80, $0x38;
	[tilespmem:$0x10500] =	vst v63  }
0x182: {  	s5 =	spop (v2sf)  }
0x183: {  	s30 =	sand.u32 $0x1FFFFFF0, s5;
	s31 =	spop (v2sf)  }
0x184: {  	s6 =	sadd.s32 s3, s30;
	s7 =	sand.u32 $0x1FFFFFF0, s31;
	s8 =	spop (v2sf)  }
0x185: {  	[tilespmem:s13], [sflag:$0x1] =	stream.linear.gather [hbm4b:s6+s1], $0x80, $0x38;
	[tilespmem:$0x10500] =	vst v63  }
0x186: {  	s9 =	sadd.s32 s4, s7;
	s11 =	sand.u32 $0x1FFFFFF0, s8;
	s12 =	spop (v2sf)  }
0x187: {  	[tilespmem:s10], [sflag:$0x2] =	stream.linear.gather [hbm4b:s9+s1], $0x80, $0x38;
	[tilespmem:$0x10500] =	vst v63  }
0x188: {  	s13 =	sadd.s32 s3, s11;
	s14 =	sand.u32 $0x1FFFFFF0, s12;
	s15 =	spop (v2sf)  }
0x189: {  	[tilespmem:s26], [sflag:$0x1] =	stream.linear.gather [hbm4b:s13+s1], $0x80, $0x38;
	[tilespmem:$0x10500] =	vst v63  }
0x18a: {  	s16 =	sadd.s32 s4, s14;
	s17 =	sand.u32 $0x1FFFFFF0, s15;
	s19 =	spop (v2sf)  }
0x18b: {  	[tilespmem:s25], [sflag:$0x2] =	stream.linear.gather [hbm4b:s16+s1], $0x80, $0x38;
	[tilespmem:$0x10500] =	vst v63  }
0x18c: {  	s20 =	sadd.s32 $0xC80, s18;
	s2 =	sadd.s32 s3, s17;
	s5 =	sand.u32 $0x1FFFFFF0, s19  }
0x18d: {  	[tilespmem:s20], [sflag:$0x1] =	stream.linear.gather [hbm4b:s2+s1], $0x80, $0x38;
	[tilespmem:$0x10500] =	vst v63  }
0x18e: {  	s21 =	sadd.s32 $0x8C80, s18;
	s23 =	simm.s32 $0x1;
	s22 =	sadd.s32 s4, s5  }
0x18f: {  	[tilespmem:s21], [sflag:$0x2] =	stream.linear.gather [hbm4b:s22+s1], $0x80, $0x38;
	[tilespmem:$0x10500] =	vst v63  }
0x190: {  	_ =	swait.ge [sflag:s23], $0x8000  }
0x191: {  	[sflag:s23] =	ssyncset.done $0x0  }
0x192: {  	s24 =	simm.s32 $0x2;
	[sflag:s23] =	ssyncadd.s32 $0xFFFF8000  }
0x193: {  	_ =	swait.ge [sflag:s24], $0x8000  }
0x194: {  	s26 =	simm.s32 $0x500;
	[sflag:s24] =	ssyncset.done $0x0  }
0x195: {  	s5 =	simm.s32 $0x3;
	s25 =	rddreg [dreg:$0x1a];
	[sflag:s24] =	ssyncadd.s32 $0xFFFF8000  }
0x196: {  	[hbm4b:s25+s1] =	stream.linear.scatter [tilespmem:s26], [sflag:$0x3], $0x8000, $0x38;
	[tilespmem:$0x10500] =	vst v63  }
0x197: {  	_ =	swait.ge [sflag:s5], $0x8000  }
0x198: {  	[sflag:s5] =	ssyncset.done $0x0  }
0x199: {  	s29 =	simm.s32 $0x8500;
	s28 =	rddreg [dreg:$0x1b];
	[sflag:s5] =	ssyncadd.s32 $0xFFFF8000  }
0x19a: {  	[hbm4b:s28+s1] =	stream.linear.scatter [tilespmem:s29], [sflag:$0x3], $0x8000, $0x38;
	[tilespmem:$0x10500] =	vst v63  }
0x19b: {  	_ =	swait.ge [sflag:s5], $0x8000  }
0x19c: {  	s30 =	rddreg [dreg:$0x1d]  }
0x19d: {  	s31 =	rddreg [dreg:$0x1c];
	s2 =	sadd.s32 $0x1, s30  }
0x19e: {  	p0 =	sne.s32 s2, s31  }
.Ltmp2:
0x19f: {  	_ = 	snop;
	(pc) =	sbr.rel @p0 .LBB2_1-.Ltmp2, $3  }
0x1a0: {  	_ =	sdelay $0x1  }
0x1a1: {  	[sflag:s5] =	ssyncset.done $0x0  }
0x1a2: {  	[sflag:s5] =	ssyncadd.s32 $0xFFFF8000  }
0x1a3: {  	_ =	sfence.sel $0x180000  }
0x1a4: {  	[bflag:$0x0] =	sbarrier.arrive $0xFFFF  }
0x1a5: {  	_ =	strace $0x90000047  }
0x1a6: {  	s0 =	stileid.u32;
	[bflag:$0x2] =	sbarrier.arrive $0xFFFF  }
0x1a7: {  	p0 =	sne.s32 s0, $0x0;
	s0 =	rddreg [dreg:$0x3]  }
0x1a8: {  	s0 =	sadd.s32 @!p0 $0x100000, s0  }
0x1a9: {  	[sflag:s0] =	ssyncadd.tile.s32 @!p0 $0x1;
	_ =	shalt  }
.Lfunc_end2:
_tile_overlayer_lowered:
.L_overlay_start_2:
0x1aa: {  	(tag) =	ssettag $0x2  }
0x1ab: {  	s0 =	rddreg [dreg:$0x0];
	s2 =	stileid.u32  }
0x1ac: {  	s1 =	rddreg [dreg:$0x1];
	p0 =	sne.s32 s2, $0x0  }
0x1ad: {  	s3 =	rddreg [dreg:$0x2];
	[bflag:$0x3] =	sbarrier.arrive $0xFFFF;
	s2 =	simm.s32 @!p0 $0x1C03  }
0x1ae: {  	[timem:s3], [sflag:s2] =	dma.local @!p0 [hbm:s0], s1  }
0x1af: {  	s0 =	simm.s32 @!p0 $0x3  }
0x1b0: {  	_ =	swait.ge @!p0 [sflag:s0], s1  }
0x1b1: {  	s1 =	ssub.s32 @!p0 $0x0, s1;
	[sflag:s0] =	ssyncset.done @!p0 $0x0  }
0x1b2: {  	[sflag:s0] =	ssyncadd.s32 @!p0 s1  }
0x1b3: {  	[bflag:$0x3] =	sbarrier.arrive $0xFFFF  }
0x1b4: {  	_ =	shalt  }

// kernel: kernel.8.cloned.1.call-start
scs
__scs_entry_jumppad:
0x0: {  	(pc) =	sbr.rel $0x88, $3  }
0x1: {  	(tag) =	ssettag $0x0;
	lr =	simm.s32 $0x1  }
0x2: {  	[smem:$0x3F9C] =	sst lr;
	_ =	strace $0xD0000000  }
0x3: {  	_ = 	snop  }
0x4: {  	_ = 	snop  }
0x5: {  	_ = 	snop  }
0x6: {  	_ = 	snop  }
0x7: {  	_ = 	snop  }
__scs_overlays_trampoline_lowered:
0x8: {  	[smem:$0x3FAB] =	sst s0  }
0x9: {  	[smem:$0x3FAC] =	sst s1  }
0xa: {  	[smem:$0x3FAD] =	sst s2  }
0xb: {  	[smem:$0x3FAE] =	sst s3  }
0xc: {  	[smem:$0x3FAF] =	sst s4  }
0xd: {  	[smem:$0x3FB0] =	sst s5  }
0xe: {  	[smem:$0x3FB1] =	sst s6  }
0xf: {  	[smem:$0x3FB2] =	sst s7  }
0x10: {  	[smem:$0x3FB3] =	sst s8  }
0x11: {  	[smem:$0x3FB4] =	sst s9;
	s0 =	simm.s32 @!p0 $0x0  }
0x12: {  	s1 =	sld [smem:$0x3F9A];
	s0 =	simm.s32 @p0 $0x1  }
0x13: {  	[smem:$0x3FB5] =	sst s0;
	s0 =	simm.s32 @!p1 $0x0  }
0x14: {  	s2 =	sld [smem:$0x3F99];
	s0 =	simm.s32 @p1 $0x1  }
0x15: {  	[smem:$0x3FB6] =	sst s0;
	s0 =	simm.s32 @!p2 $0x0  }
0x16: {  	s3 =	sld [smem:$0x3FDB];
	s0 =	simm.s32 @p2 $0x1  }
0x17: {  	s4 =	simm.s32 $0x1BF5;
	[smem:$0x3FB8] =	sst s0  }
0x18: {  	s0 =	sld [smem:$0x3F9B];
	_ =	swait.ge [sflag:s4], $0x0  }
0x19: {  	s7 =	sld [smem:$0x3F9C]  }
0x1a: {  	s8 =	sadd.s32 $0xFFFFE003, lr  }
0x1b: {  	s9 =	sadd.s32 $0xFFFFFEF7, lr;
	s5 =	simm.s32 $0xFFFFFFFF;
	p2 =	slt.u32 s8, $0xFFFFF086  }
0x1c: {  	p1 =	slt.u32 s9, $0xF7A;
	s5 =	simm.s32 @!p2 $0x0  }
0x1d: {  	s5 =	simm.s32 @p1 $0x1;
	p0 =	seq.s32 s7, s2  }
0x1e: {  	s7 =	smul.u32 @!p0 $0xF7A, s2;
	p2 =	seq.s32 @!p0 s5, $0x0  }
0x1f: {  	s9 =	smul.u32 $0xF7A, s1;
	s8 =	simm.s32 @!p0 $0x1BF5;
	p2 =	por !p2, p0  }
0x20: {  	[sflag:s8] =	ssyncset.s32 @!p0 $0xFFFFF086;
	s6 =	sadd.s32 @!p0 s3, s7;
	s7 =	simm.s32 @!p0 $0x108  }
0x21: {  	s3 =	sadd.s32 s3, s9;
	s6 =	sadd.s32 @!p0 $0x88, s6;
	s7 =	simm.s32 @p2 $0x1082  }
0x22: {  	[simem:s7], [sflag:s8] =	dma.local @!p0 [hbm:s6], $0xF7A  }
0x23: {  	s9 =	sor.u32 $0xD0000000, s2;
	s6 =	simm.s32 $0x108;
	_ =	swait.ge @!p0 [sflag:s8], $0x0  }
0x24: {  	s3 =	sadd.s32 $0x88, s3;
	s6 =	simm.s32 @!p1 $0x1082;
	[sflag:s4] =	ssyncset.s32 $0xFFFFF086  }
0x25: {  	[simem:s6], [sflag:s4] =	dma.local [hbm:s3], $0xF7A  }
0x26: {  	[smem:$0x3F9C] =	sst s1;
	(tag) =	ssettag s2;
	_ =	strace s9  }
0x27: {  	s1 =	sld [smem:$0x3FAC]  }
0x28: {  	s2 =	sld [smem:$0x3FAD]  }
0x29: {  	s4 =	sld [smem:$0x3FAF]  }
0x2a: {  	p0 =	seq.s32 s5, $0x0;
	s5 =	sld [smem:$0x3FB0]  }
0x2b: {  	s6 =	sld [smem:$0x3FB1]  }
0x2c: {  	s7 =	sld [smem:$0x3FB2]  }
0x2d: {  	s3 =	simm.s32 $0x108;
	s8 =	sld [smem:$0x3FB3]  }
0x2e: {  	s3 =	simm.s32 @!p0 $0x1082;
	s9 =	sld [smem:$0x3FB4]  }
0x2f: {  	lr =	sadd.s32 s0, s3;
	s0 =	sld [smem:$0x3FAB]  }
0x30: {  	s3 =	sld [smem:$0x3FAE]  }
0x31: {  	[smem:$0x3FB7] =	sst s10  }
0x32: {  	s10 =	sld [smem:$0x3FB5];
	_ =	sdelay $0x3  }
0x33: {  	p0 =	seq.s32 s10, $0x1;
	s10 =	sld [smem:$0x3FB7];
	_ =	sdelay $0x3  }
0x34: {  	[smem:$0x3FB7] =	sst s10  }
0x35: {  	s10 =	sld [smem:$0x3FB6];
	_ =	sdelay $0x3  }
0x36: {  	p1 =	seq.s32 s10, $0x1;
	s10 =	sld [smem:$0x3FB7];
	_ =	sdelay $0x3  }
0x37: {  	[smem:$0x3FB7] =	sst s10  }
0x38: {  	s10 =	sld [smem:$0x3FB8]  }
0x39: {  	_ = 	snop;
	(pc) =	sbr.ind lr, $3  }
0x3a: {  	_ = 	snop  }
0x3b: {  	_ = 	snop  }
0x3c: {  	p2 =	seq.s32 s10, $0x1;
	s10 =	sld [smem:$0x3FB7]  }
0x3d: {  	_ =	shalt  }
0x3e: {  	_ =	shalt  }
0x3f: {  	_ =	shalt  }
0x40: {  	_ =	shalt  }
0x41: {  	_ =	shalt  }
0x42: {  	_ =	shalt  }
0x43: {  	_ =	shalt  }
0x44: {  	_ =	shalt  }
0x45: {  	_ =	shalt  }
0x46: {  	_ =	shalt  }
0x47: {  	_ =	shalt  }
0x48: {  	_ =	shalt  }
0x49: {  	_ =	shalt  }
0x4a: {  	_ =	shalt  }
0x4b: {  	_ =	shalt  }
0x4c: {  	_ =	shalt  }
0x4d: {  	_ =	shalt  }
0x4e: {  	_ =	shalt  }
0x4f: {  	_ =	shalt  }
0x50: {  	_ =	shalt  }
0x51: {  	_ =	shalt  }
0x52: {  	_ =	shalt  }
0x53: {  	_ =	shalt  }
0x54: {  	_ =	shalt  }
0x55: {  	_ =	shalt  }
0x56: {  	_ =	shalt  }
0x57: {  	_ =	shalt  }
0x58: {  	_ =	shalt  }
0x59: {  	_ =	shalt  }
0x5a: {  	_ =	shalt  }
0x5b: {  	_ =	shalt  }
0x5c: {  	_ =	shalt  }
0x5d: {  	_ =	shalt  }
0x5e: {  	_ =	shalt  }
0x5f: {  	_ =	shalt  }
0x60: {  	_ =	shalt  }
0x61: {  	_ =	shalt  }
0x62: {  	_ =	shalt  }
0x63: {  	_ =	shalt  }
0x64: {  	_ =	shalt  }
0x65: {  	_ =	shalt  }
0x66: {  	_ =	shalt  }
0x67: {  	_ =	shalt  }
0x68: {  	_ =	shalt  }
0x69: {  	_ =	shalt  }
0x6a: {  	_ =	shalt  }
0x6b: {  	_ =	shalt  }
0x6c: {  	_ =	shalt  }
0x6d: {  	_ =	shalt  }
0x6e: {  	_ =	shalt  }
0x6f: {  	_ =	shalt  }
0x70: {  	_ =	shalt  }
0x71: {  	_ =	shalt  }
0x72: {  	_ =	shalt  }
0x73: {  	_ =	shalt  }
0x74: {  	_ =	shalt  }
0x75: {  	_ =	shalt  }
0x76: {  	_ =	shalt  }
0x77: {  	_ =	shalt  }
0x78: {  	_ =	shalt  }
0x79: {  	_ =	shalt  }
0x7a: {  	_ =	shalt  }
0x7b: {  	_ =	shalt  }
0x7c: {  	_ =	shalt  }
0x7d: {  	_ =	shalt  }
0x7e: {  	_ =	shalt  }
0x7f: {  	_ =	shalt  }
0x80: {  	_ =	shalt  }
0x81: {  	_ =	shalt  }
0x82: {  	_ =	shalt  }
0x83: {  	_ =	shalt  }
0x84: {  	_ =	shalt  }
0x85: {  	_ =	shalt  }
0x86: {  	_ =	shalt  }
0x87: {  	_ =	shalt  }
.Lfunc_end0:
.L_simem_size_0:
called_computation.1_lowered:
.L_overlay_start_0:
0x88: {  	s2 =	sld [smem:$0x3FD9]  }
0x89: {  	s3 =	sld [smem:$0x3FFE];
	_ =	sdelay $0x1  }
0x8a: {  	s1 =	srdreg.scid  }
0x8b: {  	s0 =	sand.u32 $0x1, s1  }
0x8c: {  	s16 =	sshll.u32 s0, $0xA;
	s2 =	sadd.s32 s3, s2  }
0x8d: {  	s2 =	sadd.s32 s2, s16  }
0x8e: {  	[smem:$0x3FC3] =	sst s2  }
0x8f: {  	_ = 	snop  }
0x90: {  	s4 =	sld [smem:$0x3FD0];
	_ =	sdelay $0x1  }
0x91: {  	s2 =	sld [smem:$0x3FC8]  }
0x92: {  	s5 =	simm.s32 $0xB;
	s6 =	simm.s32 $0x10;
	s17 =	sld [smem:$0x3FC7]  }
0x93: {  	[smem:s6], [sflag:s5] =	dma.local [hbm:s4], $0x1  }
0x94: {  	_ =	swait.eq [sflag:s5], $0x1  }
0x95: {  	[sflag:s5] =	ssyncset.done $0x0  }
0x96: {  	[sflag:s5] =	ssyncadd.s32 $0xFFFFFFFF  }
0x97: {  	s18 =	sld [smem:$0x11];
	(tm) =	ssettm $0x1  }
0x98: {  	s19 =	sld [smem:$0x3FFB];
	_ =	sdelay $0x3  }
0x99: {  	_ =	strace s19  }
0x9a: {  	s4 =	sld [smem:$0x3FFC];
	_ =	sdelay $0x3  }
0x9b: {  	_ =	strace s4  }
0x9c: {  	s4 =	sld [smem:$0x3FFD];
	_ =	sdelay $0x3  }
0x9d: {  	_ =	strace s4  }
0x9e: {  	_ =	strace $0x8FFFFFFF  }
0x9f: {  	s20 =	sld [smem:$0x3FDB];
	_ =	sdelay $0x1  }
0xa0: {  	s21 =	simm.s32 $_scs_section_size  }
0xa1: {  	s7 =	simm.s32 $_size__tile_overlayer_lowered;
	s8 =	simm.s32 $_tile_overlayer_lowered  }
0xa2: {  	s9 =	simm.s32 $0x1BFF;
	s22 =	sshll.u32 s8, $0x1;
	s6 =	sadd.s32 s21, s20  }
0xa3: {  	s23 =	simm.s32 $0x0;
	s7 =	sshll.u32 s7, $0x1;
	s8 =	sadd.s32 s22, s6  }
0xa4: {  	[timem:s23], [sflag:s9] =	dma.local [hbm:s8], s7  }
0xa5: {  	_ =	swait.ge [sflag:s9], s7  }
0xa6: {  	s7 =	ssub.s32 $0x0, s7;
	[sflag:s9] =	ssyncset.done $0x0  }
0xa7: {  	[sflag:s9] =	ssyncadd.s32 s7;
	_ =	sdelay $0x1  }
0xa8: {  	s24 =	simm.s32 $0x1B8B  }
0xa9: {  	_ =	swait.ge [sflag:s24], $0x1  }
0xaa: {  	[sflag:s24] =	ssyncset.done $0x0  }
0xab: {  	[sflag:s24] =	ssyncadd.s32 $0xFFFFFFFF  }
0xac: {  	s7 =	sld [smem:$0x0]  }
0xad: {  	s8 =	sand.u32 $0xFFFFFFFE, s1  }
0xae: {  	p0 =	sne.s32 s1, s8  }
0xaf: {  	s8 =	sshll.u32 @p0 s8, $0xE  }
0xb0: {  	s8 =	sadd.s32 @p0 $0x11B8D, s8;
	s9 =	sshll.u32 @p0 s7, $0x11  }
0xb1: {  	s8 =	sor.u32 @p0 s9, s8  }
0xb2: {  	[sflag:s8] =	ssyncadd.remote.s32 @p0 $0x1;
	_ =	sdelay $0x1  }
0xb3: {  	s8 =	simm.s32 @p0 $0x1B8D  }
0xb4: {  	_ =	swait.eq @p0 [sflag:s8], $0x1  }
0xb5: {  	[sflag:s8] =	ssyncadd.s32 @p0 $0xFFFFFFFF  }
0xb6: {  	s9 =	sshll.u32 @!p0 s1, $0xE  }
0xb7: {  	s9 =	sor.u32 @!p0 $0x4000, s9;
	s8 =	simm.s32 @!p0 $0x1B8D  }
0xb8: {  	s7 =	sshll.u32 @!p0 s7, $0x11;
	s9 =	sadd.s32 @!p0 $0x11B8D, s9;
	_ =	swait.eq @!p0 [sflag:s8], $0x1  }
0xb9: {  	s7 =	sor.u32 @!p0 s7, s9;
	[sflag:s8] =	ssyncadd.s32 @!p0 $0xFFFFFFFF  }
0xba: {  	s25 =	simm.s32 $0x1B8E;
	[sflag:s7] =	ssyncadd.remote.s32 @!p0 $0x1  }
0xbb: {  	s26 =	simm.s32 $execute0_lowered;
	[smem:$0x3FD2] =	sst s25  }
0xbc: {  	s7 =	sshll.u32 s26, $0x1;
	_ =	strace $0x80000049;
	[dreg:$0x1] =	wrdreg $0xFFFFFFFF  }
0xbd: {  	s28 =	simm.s32 $_size_execute0_lowered;
	s6 =	sadd.s32 s6, s7;
	[dreg:$0x0] =	wrdreg $0x0  }
0xbe: {  	s7 =	sshll.u32 s28, $0x1;
	[dreg:$0x2] =	wrdreg s6  }
0xbf: {  	[dreg:$0x3] =	wrdreg s7  }
0xc0: {  	[dreg:$0x4] =	wrdreg $0xC0  }
0xc1: {  	_ =	task [dreg:s23], $0x5FFFF  }
0xc2: {  	[dreg:$0x1] =	wrdreg $0xFFFFFFFF  }
0xc3: {  	[dreg:$0x0] =	wrdreg $0x60  }
0xc4: {  	[dreg:$0x2] =	wrdreg s2  }
0xc5: {  	[dreg:$0x3] =	wrdreg s17  }
0xc6: {  	[dreg:$0x4] =	wrdreg s18  }
0xc7: {  	[dreg:$0x5] =	wrdreg $0xA  }
0xc8: {  	_ =	task.clear_ibuf [dreg:s23], $0x6FFFF;
	_ =	strace $0x90000049  }
0xc9: {  	s29 =	simm.s32 $0xA;
	_ =	strace $0x8000004B  }
0xca: {  	_ =	swait.ge [sflag:s29], $0x1  }
0xcb: {  	[sflag:s29] =	ssyncadd.s32 $0xFFFFFFFF  }
0xcc: {  	_ =	strace $0x9000004B  }
0xcd: {  	_ =	sfence  }
0xce: {  	s30 =	sld [smem:$0x0];
	_ =	sdelay $0x2  }
0xcf: {  	s31 =	sshll.u32 s1, $0xD;
	s1 =	sshrl.u32 s1, $0x2  }
0xd0: {  	s3 =	sand.u32 $0x4000, s31;
	s1 =	sadd.s32 s1, s30  }
0xd1: {  	s0 =	sor.u32 s3, s0;
	s1 =	sshll.u32 s1, $0x11  }
0xd2: {  	s0 =	sor.u32 s1, s0  }
0xd3: {  	s0 =	sadd.s32 $0x8F2B, s0  }
0xd4: {  	[sflag:s0] =	ssyncadd.remote.s32 $0x1  }
0xd5: {  	_ =	sfence.sel $0xFFFF  }
0xd6: {  	[dreg:$0x0] =	wrdreg $0xFFFFFFFF;
	(pc) =	sbr.abs _section_cstart, $3  }
0xd7: {  	[dreg:$0x1] =	wrdreg $0xFFFFFFFF  }
0xd8: {  	_ =	task.clear_ibuf [dreg:s23], $0x2FFFF;
	_ =	strace $0x9FFFFFFF  }
0xd9: {  	(tm) =	ssettm $0x7FFFFFFF  }
tec
execute0_lowered:
.L_overlay_start_1:
0x0: {  	(tag) =	ssettag $0x1  }
0x1: {  	s4 =	rddreg [dreg:$0x0]  }
0x2: {  	s2 =	rddreg [dreg:$0x1]  }
0x3: {  	s8 =	rddreg [dreg:$0x2];
	s3 =	srdreg.scid  }
0x4: {  	s0 =	rddreg [dreg:$0x3];
	s1 =	stileid.u32;
	s6 =	sand.u32 $0x1, s3  }
0x5: {  	s3 =	simm.s32 $0x0;
	s5 =	sshll.u32 s1, $0x7;
	s7 =	sshll.u32 s6, $0x6  }
0x6: {  	[smem:$0x7FF] =	sst s3;
	s10 =	ssub.s32 $0x2, s6;
	s9 =	sor.u32 s7, s5  }
0x7: {  	_ =	strace $0x8000004A;
	s5 =	sadd.s32 s4, s9;
	s4 =	simm.s32 $0x2  }
0x8: {  	[tilespmem:s3], [sflag:$0x2] =	stream.linear.gather [hbm4b:s5+s3], $0x200, $0x38;
	[tilespmem:$0x400] =	vst v63  }
0x9: {  	s11 =	sshrl.u32 s10, $0x1;
	_ =	swait.ge [sflag:s4], $0x200  }
0xa: {  	s6 =	simm.s32 $0x200;
	s10 =	ssub.s32 s10, s11;
	[sflag:s4] =	ssyncset.done $0x0  }
0xb: {  	s7 =	simm.s32 $0x1;
	s31 =	smax.u32 s10, $0x1;
	[sflag:s4] =	ssyncadd.s32 $0xFFFFFE00  }
0xc: {  	[tilespmem:s6], [sflag:$0x1] =	stream.indirect.gather [hbm4b:s2+s6], $0x1, s3, s6, $0xb8;
	[tilespmem:$0x400] =	vst v63  }
0xd: {  	p0 =	sne.s32 s31, $0x1;
	_ =	swait.ge [sflag:s7], $0x200  }
.Ltmp0:
0xe: {  	[sflag:s7] =	ssyncset.done $0x0;
	(pc) =	sbr.rel @!p0 .LBB2_2-.Ltmp0, $4  }
0xf: {  	s8 =	sadd.s32 s8, s9;
	[sflag:s7] =	ssyncadd.s32 $0xFFFFFE00  }
0x10: {  	[hbm4b:s8+s3] =	stream.linear.scatter [tilespmem:s6], [sflag:$0x2], $0x200, $0x38;
	[tilespmem:$0x400] =	vst v63  }
0x11: {  	_ =	swait.ge [sflag:s4], $0x200  }
0x12: {  	s9 =	sadd.s32 $0xFFFFFFFF, s31;
	[sflag:s4] =	ssyncset.done $0x0  }
.LBB2_1:
0x13: {  	p0 =	sne.s32 s9, $0x1;
	s9 =	sadd.s32 $0xFFFFFFFF, s9;
	[sflag:s4] =	ssyncadd.s32 $0xFFFFFE00  }
0x14: {  	[tilespmem:s3], [sflag:$0x2] =	stream.linear.gather [hbm4b:s5+s3], $0x200, $0x38;
	[tilespmem:$0x400] =	vst v63  }
0x15: {  	_ =	swait.ge [sflag:s4], $0x200  }
0x16: {  	[sflag:s4] =	ssyncset.done $0x0  }
0x17: {  	[sflag:s4] =	ssyncadd.s32 $0xFFFFFE00  }
0x18: {  	[tilespmem:s6], [sflag:$0x1] =	stream.indirect.gather [hbm4b:s2+s6], $0x1, s3, s6, $0xb8;
	[tilespmem:$0x400] =	vst v63  }
0x19: {  	_ =	swait.ge [sflag:s7], $0x200  }
.Ltmp1:
0x1a: {  	[sflag:s7] =	ssyncset.done $0x0;
	(pc) =	sbr.rel @p0 .LBB2_1-.Ltmp1, $4  }
0x1b: {  	[sflag:s7] =	ssyncadd.s32 $0xFFFFFE00  }
0x1c: {  	[hbm4b:s8+s3] =	stream.linear.scatter [tilespmem:s6], [sflag:$0x2], $0x200, $0x38;
	[tilespmem:$0x400] =	vst v63  }
0x1d: {  	_ =	swait.ge [sflag:s4], $0x200  }
0x1e: {  	[sflag:s4] =	ssyncset.done $0x0  }
.LBB2_2:
0x1f: {  	[sflag:s4] =	ssyncadd.s32 $0xFFFFFE00  }
0x20: {  	_ =	sfence.sel $0x180000  }
0x21: {  	[bflag:$0x0] =	sbarrier.arrive $0xFFFF  }
0x22: {  	p0 =	sne.s32 s1, $0x0;
	_ =	strace $0x9000004A  }
0x23: {  	s0 =	sadd.s32 @!p0 $0x100000, s0;
	[bflag:$0x2] =	sbarrier.arrive $0xFFFF  }
0x24: {  	[sflag:s0] =	ssyncadd.tile.s32 @!p0 $0x1;
	_ =	shalt  }
.Lfunc_end2:
_tile_overlayer_lowered:
.L_overlay_start_2:
0x25: {  	(tag) =	ssettag $0x2  }
0x26: {  	s0 =	rddreg [dreg:$0x0];
	s2 =	stileid.u32  }
0x27: {  	s1 =	rddreg [dreg:$0x1];
	p0 =	sne.s32 s2, $0x0  }
0x28: {  	s3 =	rddreg [dreg:$0x2];
	[bflag:$0x3] =	sbarrier.arrive $0xFFFF;
	s2 =	simm.s32 @!p0 $0x1C02  }
0x29: {  	[timem:s3], [sflag:s2] =	dma.local @!p0 [hbm:s0], s1  }
0x2a: {  	s0 =	simm.s32 @!p0 $0x2  }
0x2b: {  	_ =	swait.ge @!p0 [sflag:s0], s1  }
0x2c: {  	s1 =	ssub.s32 @!p0 $0x0, s1;
	[sflag:s0] =	ssyncset.done @!p0 $0x0  }
0x2d: {  	[sflag:s0] =	ssyncadd.s32 @!p0 s1  }
0x2e: {  	[bflag:$0x3] =	sbarrier.arrive $0xFFFF  }
0x2f: {  	_ =	shalt  }

</sc_bundles>
